<compile_context>
chip_gen: v7x
topology: tpu7x:2x2x1
jax: 0.10.2.dev20260603
libtpu: 0.0.44.dev20260713+nightly
codegen_flags: <defaults>
</compile_context>

<pallas_src>
import math

import jax
import jax.numpy as jnp
from jax import lax
from jax.experimental import pallas as pl
from jax.experimental.pallas import tpu as pltpu, tpu_sc as plsc

N_TOKEN = 1000000
D_MODEL = 64
SCALE = math.sqrt(D_MODEL)

NC = 2
NS = 16
NW = NC * NS
LANES = 16

ROW_W = 128
IDX_W = 128
K = 2
CHUNK = K * IDX_W


def _sc_embed(idx2d, table_p):
    n_idx_rows = idx2d.shape[0]
    rows_per_w = n_idx_rows // NW
    n_chunks = rows_per_w // K
    b = n_idx_rows * IDX_W

    mesh = plsc.VectorSubcoreMesh(
        core_axis_name="c", subcore_axis_name="s",
        num_cores=NC, num_subcores=NS,
    )

    def body(idx_hbm, table_hbm, out_hbm, idx_v, rows0, rows1,
             sem_in0, sem_in1, sem_out0, sem_out1):
        wid = lax.axis_index("s") * NC + lax.axis_index("c")
        row0 = wid * rows_per_w
        pltpu.sync_copy(idx_hbm.at[pl.ds(row0, rows_per_w)], idx_v)

        rows = (rows0, rows1)
        sem_in = (sem_in0, sem_in1)
        sem_out = (sem_out0, sem_out1)

        def fire(g, p):
            for j in range(K):
                pltpu.async_copy(
                    table_hbm.at[idx_v.at[g * K + j]],
                    rows[p].at[pl.ds(j * IDX_W, IDX_W)],
                    sem_in[p],
                )

        def drain(p):
            pltpu.make_async_copy(
                table_hbm.at[pl.ds(0, CHUNK)], rows[p], sem_in[p]
            ).wait()

        def scale(p):
            rp = rows[p]

            @plsc.parallel_loop(0, CHUNK, step=1, unroll=8)
            def _(r):
                for j in range(D_MODEL // LANES):
                    sl = pl.ds(j * LANES, LANES)
                    rp[r, sl] = rp[r, sl] * SCALE

        def out_slice(g):
            return out_hbm.at[pl.ds((row0 + g * K) * IDX_W, CHUNK)]

        def fire_out(g, p):
            pltpu.async_copy(rows[p], out_slice(g), sem_out[p])

        def wait_out(p):
            pltpu.make_async_copy(
                rows[p], out_hbm.at[pl.ds(0, CHUNK)], sem_out[p]
            ).wait()

        fire(0, 0)
        fire(1, 1)
        drain(0)
        scale(0)
        fire_out(0, 0)

        def outer(i, carry):
            for bb in (0, 1):
                g = 2 * i + 1 + bb
                p = (1 + bb) & 1
                wait_out(p ^ 1)
                fire(g + 1, p ^ 1)
                drain(p)
                scale(p)
                fire_out(g, p)
            return carry

        lax.fori_loop(0, (n_chunks - 2) // 2, outer, 0)

        drain(1)
        scale(1)
        fire_out(n_chunks - 1, 1)
        wait_out(0)
        wait_out(1)

    run = pl.kernel(
        body,
        out_type=jax.ShapeDtypeStruct((b, ROW_W), jnp.float32),
        mesh=mesh,
        compiler_params=pltpu.CompilerParams(use_tc_tiling_on_sc=True),
        scratch_types=[
            pltpu.VMEM((rows_per_w, IDX_W), jnp.int32),
            pltpu.VMEM((CHUNK, ROW_W), jnp.float32),
            pltpu.VMEM((CHUNK, ROW_W), jnp.float32),
            pltpu.SemaphoreType.DMA,
            pltpu.SemaphoreType.DMA,
            pltpu.SemaphoreType.DMA,
            pltpu.SemaphoreType.DMA,
        ],
    )
    return run(idx2d, table_p)


def kernel(x, lut_weight):
    b0, b1 = x.shape
    idx2d = x.reshape(-1, IDX_W)
    table_p = jnp.pad(lut_weight, ((0, 0), (0, ROW_W - D_MODEL)))
    o2 = _sc_embed(idx2d, table_p)
    return o2.reshape(b0, b1, ROW_W)[:, :, :D_MODEL]

# --- scband reference (transcript-rebuilt; emitter-appended) ---
"""Pipeline reference for scband-embeddings-7782480740814 (READ-ONLY COPY).

The authoritative reference and input builder live on the scoring server;
editing this copy changes nothing except your own understanding.
"""

import math
import jax, jax.numpy as jnp
import numpy as np

N_TOKEN = 1000000
D_MODEL = 64

def setup_inputs(seed: int = 0) -> dict:
    key = jax.random.key(seed)
    k1, k2 = jax.random.split(key)
    x = jax.random.randint(k1, (4096, 200), 0, N_TOKEN, dtype=jnp.int64 if jax.config.jax_enable_x64 else jnp.int32).astype(jnp.int32)
    lut_weight = jax.random.normal(k2, (N_TOKEN, D_MODEL), dtype=jnp.float32)
    return {"x": x, "lut_weight": lut_weight}

def reference(x, lut_weight):
    # Embeddings.forward: self.lut(x) * math.sqrt(self.d_model)
    emb = jnp.take(lut_weight, x, axis=0)
    return emb * math.sqrt(D_MODEL)

if __name__ == "__main__":
    import jax
    _d = setup_inputs()
    print(jax.jit(kernel)(*tuple(_d.values())))

</pallas_src>

<mosaic_0001>
#map = affine_map<(d0, d1) -> (0, 0)>
module attributes {stable_mosaic.version = 14 : i64} {
  func.func @body(%arg0: i32, %arg1: i32, %arg2: memref<6400x128xi32, #tpu.memory_space<hbm>>, %arg3: memref<1000000x128xf32, #tpu.memory_space<hbm>>, %arg4: memref<819200x128xf32, #tpu.memory_space<hbm>>, %arg5: memref<200x128xi32, #tpu.memory_space<vmem>>, %arg6: memref<256x128xf32, #tpu.memory_space<vmem>>, %arg7: memref<256x128xf32, #tpu.memory_space<vmem>>, %arg8: memref<!tpu.dma_semaphore, #tpu.memory_space<semaphore_mem>>, %arg9: memref<!tpu.dma_semaphore, #tpu.memory_space<semaphore_mem>>, %arg10: memref<!tpu.dma_semaphore, #tpu.memory_space<semaphore_mem>>, %arg11: memref<!tpu.dma_semaphore, #tpu.memory_space<semaphore_mem>>) attributes {dimension_semantics = [#tpu.dimension_semantics<core_parallel>, #tpu.dimension_semantics<subcore_parallel>], iteration_bounds = array<i64: 2, 16>, scalar_prefetch = 0 : i64, scratch_operands = 7 : i64, tpu.core_type = #tpu.core_type<sc_vector_subcore>, window_params = [{transform_indices = #map}, {transform_indices = #map}, {transform_indices = #map}]} {
    %mul3A = arith.constant 2 : i32
    %mul3A_0 = arith.muli %arg1, %mul3A : i32
    %add3A = arith.addi %mul3A_0, %arg0 : i32
    %mul3A_1 = arith.constant 200 : i32
    %mul3A_2 = arith.muli %add3A, %mul3A_1 : i32
    "tpu.region"() ({
      %run_scoped3A = tpu.sem_alloc : memref<!tpu.dma_semaphore, #tpu.memory_space<semaphore_mem>>
      %dma_start3A_91 = arith.constant 0 : i32
      %dma_start3A_92 = tpu.memref_slice %arg2[%mul3A_2, %dma_start3A_91] : memref<6400x128xi32, #tpu.memory_space<hbm>> -> memref<200x128xi32, #tpu.memory_space<hbm>>
      %dma_start3A_93 = arith.constant 0 : i32
      %dma_start3A_94 = tpu.memref_slice %arg2[%mul3A_2, %dma_start3A_93] : memref<6400x128xi32, #tpu.memory_space<hbm>> -> memref<200x128xi32, #tpu.memory_space<hbm>>
      tpu.enqueue_dma source(%dma_start3A_94 : memref<200x128xi32, #tpu.memory_space<hbm>>) target(%arg5 : memref<200x128xi32, #tpu.memory_space<vmem>>) target_semaphore(%run_scoped3A : memref<!tpu.dma_semaphore, #tpu.memory_space<semaphore_mem>>)
      %dma_wait3A_95 = arith.constant 0 : i32
      %dma_wait3A_96 = tpu.memref_slice %arg2[%mul3A_2, %dma_wait3A_95] : memref<6400x128xi32, #tpu.memory_space<hbm>> -> memref<200x128xi32, #tpu.memory_space<hbm>>
      %dma_wait3A_97 = arith.constant 0 : i32
      %dma_wait3A_98 = tpu.memref_slice %arg2[%mul3A_2, %dma_wait3A_97] : memref<6400x128xi32, #tpu.memory_space<hbm>> -> memref<200x128xi32, #tpu.memory_space<hbm>>
      tpu.wait_dma2 semaphore(%run_scoped3A : memref<!tpu.dma_semaphore, #tpu.memory_space<semaphore_mem>>) src(%dma_wait3A_98 : memref<200x128xi32, #tpu.memory_space<hbm>>) dst(%arg5 : memref<200x128xi32, #tpu.memory_space<vmem>>)
      tpu.yield
    }) : () -> ()
    %dma_start3A = arith.constant 0 : i32
    %dma_start3A_3 = arith.constant 0 : i32
    %dma_start3A_4 = arith.constant 0 : i32
    %dma_start3A_5 = tpu.memref_slice %arg6[%dma_start3A_3, %dma_start3A_4] : memref<256x128xf32, #tpu.memory_space<vmem>> -> memref<128x128xf32, #tpu.memory_space<vmem>>
    %dma_start3A_6 = arith.constant 0 : i32
    %dma_start3A_7 = tpu.memref_slice %arg5[%dma_start3A, %dma_start3A_6] : memref<200x128xi32, #tpu.memory_space<vmem>> -> memref<1x128xi32, #tpu.memory_space<vmem>>
    %dma_start3A_8 = tpu.memref_squeeze %dma_start3A_7 : memref<1x128xi32, #tpu.memory_space<vmem>> -> memref<128xi32, #tpu.memory_space<vmem>>
    %dma_start3A_9 = arith.constant 0 : i32
    %dma_start3A_10 = arith.constant 0 : i32
    %dma_start3A_11 = tpu.memref_slice %arg3[%dma_start3A_9, %dma_start3A_10] : memref<1000000x128xf32, #tpu.memory_space<hbm>> -> memref<1000000x128xf32, #tpu.memory_space<hbm>>
    tpu.enqueue_indirect_dma source(%dma_start3A_11 : memref<1000000x128xf32, #tpu.memory_space<hbm>>) target(%dma_start3A_5 : memref<128x128xf32, #tpu.memory_space<vmem>>) offsets(%dma_start3A_8 : memref<128xi32, #tpu.memory_space<vmem>>) semaphore(%arg8 : memref<!tpu.dma_semaphore, #tpu.memory_space<semaphore_mem>>)
    %dma_start3A_12 = arith.constant 1 : i32
    %dma_start3A_13 = arith.constant 128 : i32
    %dma_start3A_14 = arith.constant 0 : i32
    %dma_start3A_15 = tpu.memref_slice %arg6[%dma_start3A_13, %dma_start3A_14] : memref<256x128xf32, #tpu.memory_space<vmem>> -> memref<128x128xf32, #tpu.memory_space<vmem>>
    %dma_start3A_16 = arith.constant 0 : i32
    %dma_start3A_17 = tpu.memref_slice %arg5[%dma_start3A_12, %dma_start3A_16] : memref<200x128xi32, #tpu.memory_space<vmem>> -> memref<1x128xi32, #tpu.memory_space<vmem>>
    %dma_start3A_18 = tpu.memref_squeeze %dma_start3A_17 : memref<1x128xi32, #tpu.memory_space<vmem>> -> memref<128xi32, #tpu.memory_space<vmem>>
    %dma_start3A_19 = arith.constant 0 : i32
    %dma_start3A_20 = arith.constant 0 : i32
    %dma_start3A_21 = tpu.memref_slice %arg3[%dma_start3A_19, %dma_start3A_20] : memref<1000000x128xf32, #tpu.memory_space<hbm>> -> memref<1000000x128xf32, #tpu.memory_space<hbm>>
    tpu.enqueue_indirect_dma source(%dma_start3A_21 : memref<1000000x128xf32, #tpu.memory_space<hbm>>) target(%dma_start3A_15 : memref<128x128xf32, #tpu.memory_space<vmem>>) offsets(%dma_start3A_18 : memref<128xi32, #tpu.memory_space<vmem>>) semaphore(%arg8 : memref<!tpu.dma_semaphore, #tpu.memory_space<semaphore_mem>>)
    %dma_start3A_22 = arith.constant 2 : i32
    %dma_start3A_23 = arith.constant 0 : i32
    %dma_start3A_24 = arith.constant 0 : i32
    %dma_start3A_25 = tpu.memref_slice %arg7[%dma_start3A_23, %dma_start3A_24] : memref<256x128xf32, #tpu.memory_space<vmem>> -> memref<128x128xf32, #tpu.memory_space<vmem>>
    %dma_start3A_26 = arith.constant 0 : i32
    %dma_start3A_27 = tpu.memref_slice %arg5[%dma_start3A_22, %dma_start3A_26] : memref<200x128xi32, #tpu.memory_space<vmem>> -> memref<1x128xi32, #tpu.memory_space<vmem>>
    %dma_start3A_28 = tpu.memref_squeeze %dma_start3A_27 : memref<1x128xi32, #tpu.memory_space<vmem>> -> memref<128xi32, #tpu.memory_space<vmem>>
    %dma_start3A_29 = arith.constant 0 : i32
    %dma_start3A_30 = arith.constant 0 : i32
    %dma_start3A_31 = tpu.memref_slice %arg3[%dma_start3A_29, %dma_start3A_30] : memref<1000000x128xf32, #tpu.memory_space<hbm>> -> memref<1000000x128xf32, #tpu.memory_space<hbm>>
    tpu.enqueue_indirect_dma source(%dma_start3A_31 : memref<1000000x128xf32, #tpu.memory_space<hbm>>) target(%dma_start3A_25 : memref<128x128xf32, #tpu.memory_space<vmem>>) offsets(%dma_start3A_28 : memref<128xi32, #tpu.memory_space<vmem>>) semaphore(%arg9 : memref<!tpu.dma_semaphore, #tpu.memory_space<semaphore_mem>>)
    %dma_start3A_32 = arith.constant 3 : i32
    %dma_start3A_33 = arith.constant 128 : i32
    %dma_start3A_34 = arith.constant 0 : i32
    %dma_start3A_35 = tpu.memref_slice %arg7[%dma_start3A_33, %dma_start3A_34] : memref<256x128xf32, #tpu.memory_space<vmem>> -> memref<128x128xf32, #tpu.memory_space<vmem>>
    %dma_start3A_36 = arith.constant 0 : i32
    %dma_start3A_37 = tpu.memref_slice %arg5[%dma_start3A_32, %dma_start3A_36] : memref<200x128xi32, #tpu.memory_space<vmem>> -> memref<1x128xi32, #tpu.memory_space<vmem>>
    %dma_start3A_38 = tpu.memref_squeeze %dma_start3A_37 : memref<1x128xi32, #tpu.memory_space<vmem>> -> memref<128xi32, #tpu.memory_space<vmem>>
    %dma_start3A_39 = arith.constant 0 : i32
    %dma_start3A_40 = arith.constant 0 : i32
    %dma_start3A_41 = tpu.memref_slice %arg3[%dma_start3A_39, %dma_start3A_40] : memref<1000000x128xf32, #tpu.memory_space<hbm>> -> memref<1000000x128xf32, #tpu.memory_space<hbm>>
    tpu.enqueue_indirect_dma source(%dma_start3A_41 : memref<1000000x128xf32, #tpu.memory_space<hbm>>) target(%dma_start3A_35 : memref<128x128xf32, #tpu.memory_space<vmem>>) offsets(%dma_start3A_38 : memref<128xi32, #tpu.memory_space<vmem>>) semaphore(%arg9 : memref<!tpu.dma_semaphore, #tpu.memory_space<semaphore_mem>>)
    %dma_wait3A = arith.constant 0 : i32
    %dma_wait3A_42 = arith.constant 0 : i32
    %dma_wait3A_43 = tpu.memref_slice %arg3[%dma_wait3A, %dma_wait3A_42] : memref<1000000x128xf32, #tpu.memory_space<hbm>> -> memref<256x128xf32, #tpu.memory_space<hbm>>
    %dma_wait3A_44 = arith.constant 0 : i32
    %dma_wait3A_45 = arith.constant 0 : i32
    %dma_wait3A_46 = tpu.memref_slice %arg3[%dma_wait3A_44, %dma_wait3A_45] : memref<1000000x128xf32, #tpu.memory_space<hbm>> -> memref<256x128xf32, #tpu.memory_space<hbm>>
    tpu.wait_dma2 semaphore(%arg8 : memref<!tpu.dma_semaphore, #tpu.memory_space<semaphore_mem>>) src(%dma_wait3A_46 : memref<256x128xf32, #tpu.memory_space<hbm>>) dst(%arg6 : memref<256x128xf32, #tpu.memory_space<vmem>>)
    %parallel_loop3A = arith.constant 0 : i32
    %parallel_loop3A_47 = arith.constant 256 : i32
    %parallel_loop3A_48 = arith.constant 1 : i32
    scf.for %parallel_loop3A_91 = %parallel_loop3A to %parallel_loop3A_47 step %parallel_loop3A_48  : i32 {
      %parallel_loop3A_92 = arith.index_cast %parallel_loop3A_91 : i32 to index
      %parallel_loop3A_93 = arith.constant 0 : index
      %parallel_loop3A_94 = tpu.vector_load %arg6[%parallel_loop3A_92, %parallel_loop3A_93] {strides = array<i32>} : memref<256x128xf32, #tpu.memory_space<vmem>>, vector<1x16xf32>,
      %parallel_loop3A_95 = vector.shape_cast %parallel_loop3A_94 : vector<1x16xf32> to vector<16xf32>
      %parallel_loop3A_96 = arith.constant 8.000000e+00 : f32
      %parallel_loop3A_97 = vector.broadcast %parallel_loop3A_96 : f32 to vector<16xf32>
      %parallel_loop3A_98 = arith.mulf %parallel_loop3A_95, %parallel_loop3A_97 : vector<16xf32>
      %parallel_loop3A_99 = arith.index_cast %parallel_loop3A_91 : i32 to index
      %parallel_loop3A_100 = arith.constant 0 : index
      %parallel_loop3A_101 = tpu.vector_load %arg6[%parallel_loop3A_99, %parallel_loop3A_100] {strides = array<i32>} : memref<256x128xf32, #tpu.memory_space<vmem>>, vector<1x16xf32>,
      %parallel_loop3A_102 = vector.shape_cast %parallel_loop3A_101 : vector<1x16xf32> to vector<16xf32>
      %parallel_loop3A_103 = vector.shape_cast %parallel_loop3A_98 : vector<16xf32> to vector<1x16xf32>
      tpu.vector_store %arg6[%parallel_loop3A_99, %parallel_loop3A_100], %parallel_loop3A_103 {strides = array<i32>} : memref<256x128xf32, #tpu.memory_space<vmem>>, vector<1x16xf32>,
      %parallel_loop3A_104 = arith.index_cast %parallel_loop3A_91 : i32 to index
      %parallel_loop3A_105 = arith.constant 16 : index
      %parallel_loop3A_106 = tpu.vector_load %arg6[%parallel_loop3A_104, %parallel_loop3A_105] {strides = array<i32>} : memref<256x128xf32, #tpu.memory_space<vmem>>, vector<1x16xf32>,
      %parallel_loop3A_107 = vector.shape_cast %parallel_loop3A_106 : vector<1x16xf32> to vector<16xf32>
      %parallel_loop3A_108 = arith.constant 8.000000e+00 : f32
      %parallel_loop3A_109 = vector.broadcast %parallel_loop3A_108 : f32 to vector<16xf32>
      %parallel_loop3A_110 = arith.mulf %parallel_loop3A_107, %parallel_loop3A_109 : vector<16xf32>
      %parallel_loop3A_111 = arith.index_cast %parallel_loop3A_91 : i32 to index
      %parallel_loop3A_112 = arith.constant 16 : index
      %parallel_loop3A_113 = tpu.vector_load %arg6[%parallel_loop3A_111, %parallel_loop3A_112] {strides = array<i32>} : memref<256x128xf32, #tpu.memory_space<vmem>>, vector<1x16xf32>,
      %parallel_loop3A_114 = vector.shape_cast %parallel_loop3A_113 : vector<1x16xf32> to vector<16xf32>
      %parallel_loop3A_115 = vector.shape_cast %parallel_loop3A_110 : vector<16xf32> to vector<1x16xf32>
      tpu.vector_store %arg6[%parallel_loop3A_111, %parallel_loop3A_112], %parallel_loop3A_115 {strides = array<i32>} : memref<256x128xf32, #tpu.memory_space<vmem>>, vector<1x16xf32>,
      %parallel_loop3A_116 = arith.index_cast %parallel_loop3A_91 : i32 to index
      %parallel_loop3A_117 = arith.constant 32 : index
      %parallel_loop3A_118 = tpu.vector_load %arg6[%parallel_loop3A_116, %parallel_loop3A_117] {strides = array<i32>} : memref<256x128xf32, #tpu.memory_space<vmem>>, vector<1x16xf32>,
      %parallel_loop3A_119 = vector.shape_cast %parallel_loop3A_118 : vector<1x16xf32> to vector<16xf32>
      %parallel_loop3A_120 = arith.constant 8.000000e+00 : f32
      %parallel_loop3A_121 = vector.broadcast %parallel_loop3A_120 : f32 to vector<16xf32>
      %parallel_loop3A_122 = arith.mulf %parallel_loop3A_119, %parallel_loop3A_121 : vector<16xf32>
      %parallel_loop3A_123 = arith.index_cast %parallel_loop3A_91 : i32 to index
      %parallel_loop3A_124 = arith.constant 32 : index
      %parallel_loop3A_125 = tpu.vector_load %arg6[%parallel_loop3A_123, %parallel_loop3A_124] {strides = array<i32>} : memref<256x128xf32, #tpu.memory_space<vmem>>, vector<1x16xf32>,
      %parallel_loop3A_126 = vector.shape_cast %parallel_loop3A_125 : vector<1x16xf32> to vector<16xf32>
      %parallel_loop3A_127 = vector.shape_cast %parallel_loop3A_122 : vector<16xf32> to vector<1x16xf32>
      tpu.vector_store %arg6[%parallel_loop3A_123, %parallel_loop3A_124], %parallel_loop3A_127 {strides = array<i32>} : memref<256x128xf32, #tpu.memory_space<vmem>>, vector<1x16xf32>,
      %parallel_loop3A_128 = arith.index_cast %parallel_loop3A_91 : i32 to index
      %parallel_loop3A_129 = arith.constant 48 : index
      %parallel_loop3A_130 = tpu.vector_load %arg6[%parallel_loop3A_128, %parallel_loop3A_129] {strides = array<i32>} : memref<256x128xf32, #tpu.memory_space<vmem>>, vector<1x16xf32>,
      %parallel_loop3A_131 = vector.shape_cast %parallel_loop3A_130 : vector<1x16xf32> to vector<16xf32>
      %parallel_loop3A_132 = arith.constant 8.000000e+00 : f32
      %parallel_loop3A_133 = vector.broadcast %parallel_loop3A_132 : f32 to vector<16xf32>
      %parallel_loop3A_134 = arith.mulf %parallel_loop3A_131, %parallel_loop3A_133 : vector<16xf32>
      %parallel_loop3A_135 = arith.index_cast %parallel_loop3A_91 : i32 to index
      %parallel_loop3A_136 = arith.constant 48 : index
      %parallel_loop3A_137 = tpu.vector_load %arg6[%parallel_loop3A_135, %parallel_loop3A_136] {strides = array<i32>} : memref<256x128xf32, #tpu.memory_space<vmem>>, vector<1x16xf32>,
      %parallel_loop3A_138 = vector.shape_cast %parallel_loop3A_137 : vector<1x16xf32> to vector<16xf32>
      %parallel_loop3A_139 = vector.shape_cast %parallel_loop3A_134 : vector<16xf32> to vector<1x16xf32>
      tpu.vector_store %arg6[%parallel_loop3A_135, %parallel_loop3A_136], %parallel_loop3A_139 {strides = array<i32>} : memref<256x128xf32, #tpu.memory_space<vmem>>, vector<1x16xf32>,
    } {sc.loop_unroll_factor = 8 : i64, sc.parallel_access}
    %add3A_49 = arith.constant 0 : i32
    %add3A_50 = arith.addi %mul3A_2, %add3A_49 : i32
    %mul3A_51 = arith.constant 128 : i32
    %mul3A_52 = arith.muli %add3A_50, %mul3A_51 : i32
    %dma_start3A_53 = arith.constant 0 : i32
    %dma_start3A_54 = tpu.memref_slice %arg4[%mul3A_52, %dma_start3A_53] : memref<819200x128xf32, #tpu.memory_space<hbm>> -> memref<256x128xf32, #tpu.memory_space<hbm>>
    %dma_start3A_55 = arith.constant 0 : i32
    %dma_start3A_56 = tpu.memref_slice %arg4[%mul3A_52, %dma_start3A_55] : memref<819200x128xf32, #tpu.memory_space<hbm>> -> memref<256x128xf32, #tpu.memory_space<hbm>>
    tpu.enqueue_dma source(%arg6 : memref<256x128xf32, #tpu.memory_space<vmem>>) target(%dma_start3A_56 : memref<256x128xf32, #tpu.memory_space<hbm>>) target_semaphore(%arg10 : memref<!tpu.dma_semaphore, #tpu.memory_space<semaphore_mem>>)
    %scan3A = arith.constant 0 : i32
    %scan3A_57 = arith.constant 0 : i32
    %scan3A_58 = arith.constant 49 : i32
    %scan3A_59 = arith.addi %scan3A_57, %scan3A_58 : i32
    %scan3A_60 = arith.constant 1 : i32
    scf.for %scan3A_91 = %scan3A_57 to %scan3A_59 step %scan3A_60  : i32 {
      %mul3A_92 = arith.constant 2 : i32
      %mul3A_93 = arith.muli %mul3A_92, %scan3A_91 : i32
      %add3A_94 = arith.constant 1 : i32
      %add3A_95 = arith.addi %mul3A_93, %add3A_94 : i32
      %add3A_96 = arith.constant 0 : i32
      %add3A_97 = arith.addi %add3A_95, %add3A_96 : i32
      %dma_wait3A_98 = arith.constant 0 : i32
      %dma_wait3A_99 = arith.constant 0 : i32
      %dma_wait3A_100 = tpu.memref_slice %arg4[%dma_wait3A_98, %dma_wait3A_99] : memref<819200x128xf32, #tpu.memory_space<hbm>> -> memref<256x128xf32, #tpu.memory_space<hbm>>
      %dma_wait3A_101 = arith.constant 0 : i32
      %dma_wait3A_102 = arith.constant 0 : i32
      %dma_wait3A_103 = tpu.memref_slice %arg4[%dma_wait3A_101, %dma_wait3A_102] : memref<819200x128xf32, #tpu.memory_space<hbm>> -> memref<256x128xf32, #tpu.memory_space<hbm>>
      tpu.wait_dma2 semaphore(%arg10 : memref<!tpu.dma_semaphore, #tpu.memory_space<semaphore_mem>>) src(%arg6 : memref<256x128xf32, #tpu.memory_space<vmem>>) dst(%dma_wait3A_103 : memref<256x128xf32, #tpu.memory_space<hbm>>)
      %add3A_104 = arith.constant 1 : i32
      %add3A_105 = arith.addi %add3A_97, %add3A_104 : i32
      %mul3A_106 = arith.constant 2 : i32
      %mul3A_107 = arith.muli %add3A_105, %mul3A_106 : i32
      %add3A_108 = arith.constant 0 : i32
      %add3A_109 = arith.addi %mul3A_107, %add3A_108 : i32
      %dma_start3A_110 = arith.constant 0 : i32
      %dma_start3A_111 = arith.constant 0 : i32
      %dma_start3A_112 = tpu.memref_slice %arg6[%dma_start3A_110, %dma_start3A_111] : memref<256x128xf32, #tpu.memory_space<vmem>> -> memref<128x128xf32, #tpu.memory_space<vmem>>
      %dma_start3A_113 = arith.constant 0 : i32
      %dma_start3A_114 = tpu.memref_slice %arg5[%add3A_109, %dma_start3A_113] : memref<200x128xi32, #tpu.memory_space<vmem>> -> memref<1x128xi32, #tpu.memory_space<vmem>>
      %dma_start3A_115 = tpu.memref_squeeze %dma_start3A_114 : memref<1x128xi32, #tpu.memory_space<vmem>> -> memref<128xi32, #tpu.memory_space<vmem>>
      %dma_start3A_116 = arith.constant 0 : i32
      %dma_start3A_117 = arith.constant 0 : i32
      %dma_start3A_118 = tpu.memref_slice %arg3[%dma_start3A_116, %dma_start3A_117] : memref<1000000x128xf32, #tpu.memory_space<hbm>> -> memref<1000000x128xf32, #tpu.memory_space<hbm>>
      tpu.enqueue_indirect_dma source(%dma_start3A_118 : memref<1000000x128xf32, #tpu.memory_space<hbm>>) target(%dma_start3A_112 : memref<128x128xf32, #tpu.memory_space<vmem>>) offsets(%dma_start3A_115 : memref<128xi32, #tpu.memory_space<vmem>>) semaphore(%arg8 : memref<!tpu.dma_semaphore, #tpu.memory_space<semaphore_mem>>)
      %mul3A_119 = arith.constant 2 : i32
      %mul3A_120 = arith.muli %add3A_105, %mul3A_119 : i32
      %add3A_121 = arith.constant 1 : i32
      %add3A_122 = arith.addi %mul3A_120, %add3A_121 : i32
      %dma_start3A_123 = arith.constant 128 : i32
      %dma_start3A_124 = arith.constant 0 : i32
      %dma_start3A_125 = tpu.memref_slice %arg6[%dma_start3A_123, %dma_start3A_124] : memref<256x128xf32, #tpu.memory_space<vmem>> -> memref<128x128xf32, #tpu.memory_space<vmem>>
      %dma_start3A_126 = arith.constant 0 : i32
      %dma_start3A_127 = tpu.memref_slice %arg5[%add3A_122, %dma_start3A_126] : memref<200x128xi32, #tpu.memory_space<vmem>> -> memref<1x128xi32, #tpu.memory_space<vmem>>
      %dma_start3A_128 = tpu.memref_squeeze %dma_start3A_127 : memref<1x128xi32, #tpu.memory_space<vmem>> -> memref<128xi32, #tpu.memory_space<vmem>>
      %dma_start3A_129 = arith.constant 0 : i32
      %dma_start3A_130 = arith.constant 0 : i32
      %dma_start3A_131 = tpu.memref_slice %arg3[%dma_start3A_129, %dma_start3A_130] : memref<1000000x128xf32, #tpu.memory_space<hbm>> -> memref<1000000x128xf32, #tpu.memory_space<hbm>>
      tpu.enqueue_indirect_dma source(%dma_start3A_131 : memref<1000000x128xf32, #tpu.memory_space<hbm>>) target(%dma_start3A_125 : memref<128x128xf32, #tpu.memory_space<vmem>>) offsets(%dma_start3A_128 : memref<128xi32, #tpu.memory_space<vmem>>) semaphore(%arg8 : memref<!tpu.dma_semaphore, #tpu.memory_space<semaphore_mem>>)
      %dma_wait3A_132 = arith.constant 0 : i32
      %dma_wait3A_133 = arith.constant 0 : i32
      %dma_wait3A_134 = tpu.memref_slice %arg3[%dma_wait3A_132, %dma_wait3A_133] : memref<1000000x128xf32, #tpu.memory_space<hbm>> -> memref<256x128xf32, #tpu.memory_space<hbm>>
      %dma_wait3A_135 = arith.constant 0 : i32
      %dma_wait3A_136 = arith.constant 0 : i32
      %dma_wait3A_137 = tpu.memref_slice %arg3[%dma_wait3A_135, %dma_wait3A_136] : memref<1000000x128xf32, #tpu.memory_space<hbm>> -> memref<256x128xf32, #tpu.memory_space<hbm>>
      tpu.wait_dma2 semaphore(%arg9 : memref<!tpu.dma_semaphore, #tpu.memory_space<semaphore_mem>>) src(%dma_wait3A_137 : memref<256x128xf32, #tpu.memory_space<hbm>>) dst(%arg7 : memref<256x128xf32, #tpu.memory_space<vmem>>)
      %parallel_loop3A_138 = arith.constant 0 : i32
      %parallel_loop3A_139 = arith.constant 256 : i32
      %parallel_loop3A_140 = arith.constant 1 : i32
      scf.for %parallel_loop3A_208 = %parallel_loop3A_138 to %parallel_loop3A_139 step %parallel_loop3A_140  : i32 {
        %parallel_loop3A_209 = arith.index_cast %parallel_loop3A_208 : i32 to index
        %parallel_loop3A_210 = arith.constant 0 : index
        %parallel_loop3A_211 = tpu.vector_load %arg7[%parallel_loop3A_209, %parallel_loop3A_210] {strides = array<i32>} : memref<256x128xf32, #tpu.memory_space<vmem>>, vector<1x16xf32>,
        %parallel_loop3A_212 = vector.shape_cast %parallel_loop3A_211 : vector<1x16xf32> to vector<16xf32>
        %parallel_loop3A_213 = arith.constant 8.000000e+00 : f32
        %parallel_loop3A_214 = vector.broadcast %parallel_loop3A_213 : f32 to vector<16xf32>
        %parallel_loop3A_215 = arith.mulf %parallel_loop3A_212, %parallel_loop3A_214 : vector<16xf32>
        %parallel_loop3A_216 = arith.index_cast %parallel_loop3A_208 : i32 to index
        %parallel_loop3A_217 = arith.constant 0 : index
        %parallel_loop3A_218 = tpu.vector_load %arg7[%parallel_loop3A_216, %parallel_loop3A_217] {strides = array<i32>} : memref<256x128xf32, #tpu.memory_space<vmem>>, vector<1x16xf32>,
        %parallel_loop3A_219 = vector.shape_cast %parallel_loop3A_218 : vector<1x16xf32> to vector<16xf32>
        %parallel_loop3A_220 = vector.shape_cast %parallel_loop3A_215 : vector<16xf32> to vector<1x16xf32>
        tpu.vector_store %arg7[%parallel_loop3A_216, %parallel_loop3A_217], %parallel_loop3A_220 {strides = array<i32>} : memref<256x128xf32, #tpu.memory_space<vmem>>, vector<1x16xf32>,
        %parallel_loop3A_221 = arith.index_cast %parallel_loop3A_208 : i32 to index
        %parallel_loop3A_222 = arith.constant 16 : index
        %parallel_loop3A_223 = tpu.vector_load %arg7[%parallel_loop3A_221, %parallel_loop3A_222] {strides = array<i32>} : memref<256x128xf32, #tpu.memory_space<vmem>>, vector<1x16xf32>,
        %parallel_loop3A_224 = vector.shape_cast %parallel_loop3A_223 : vector<1x16xf32> to vector<16xf32>
        %parallel_loop3A_225 = arith.constant 8.000000e+00 : f32
        %parallel_loop3A_226 = vector.broadcast %parallel_loop3A_225 : f32 to vector<16xf32>
        %parallel_loop3A_227 = arith.mulf %parallel_loop3A_224, %parallel_loop3A_226 : vector<16xf32>
        %parallel_loop3A_228 = arith.index_cast %parallel_loop3A_208 : i32 to index
        %parallel_loop3A_229 = arith.constant 16 : index
        %parallel_loop3A_230 = tpu.vector_load %arg7[%parallel_loop3A_228, %parallel_loop3A_229] {strides = array<i32>} : memref<256x128xf32, #tpu.memory_space<vmem>>, vector<1x16xf32>,
        %parallel_loop3A_231 = vector.shape_cast %parallel_loop3A_230 : vector<1x16xf32> to vector<16xf32>
        %parallel_loop3A_232 = vector.shape_cast %parallel_loop3A_227 : vector<16xf32> to vector<1x16xf32>
        tpu.vector_store %arg7[%parallel_loop3A_228, %parallel_loop3A_229], %parallel_loop3A_232 {strides = array<i32>} : memref<256x128xf32, #tpu.memory_space<vmem>>, vector<1x16xf32>,
        %parallel_loop3A_233 = arith.index_cast %parallel_loop3A_208 : i32 to index
        %parallel_loop3A_234 = arith.constant 32 : index
        %parallel_loop3A_235 = tpu.vector_load %arg7[%parallel_loop3A_233, %parallel_loop3A_234] {strides = array<i32>} : memref<256x128xf32, #tpu.memory_space<vmem>>, vector<1x16xf32>,
        %parallel_loop3A_236 = vector.shape_cast %parallel_loop3A_235 : vector<1x16xf32> to vector<16xf32>
        %parallel_loop3A_237 = arith.constant 8.000000e+00 : f32
        %parallel_loop3A_238 = vector.broadcast %parallel_loop3A_237 : f32 to vector<16xf32>
        %parallel_loop3A_239 = arith.mulf %parallel_loop3A_236, %parallel_loop3A_238 : vector<16xf32>
        %parallel_loop3A_240 = arith.index_cast %parallel_loop3A_208 : i32 to index
        %parallel_loop3A_241 = arith.constant 32 : index
        %parallel_loop3A_242 = tpu.vector_load %arg7[%parallel_loop3A_240, %parallel_loop3A_241] {strides = array<i32>} : memref<256x128xf32, #tpu.memory_space<vmem>>, vector<1x16xf32>,
        %parallel_loop3A_243 = vector.shape_cast %parallel_loop3A_242 : vector<1x16xf32> to vector<16xf32>
        %parallel_loop3A_244 = vector.shape_cast %parallel_loop3A_239 : vector<16xf32> to vector<1x16xf32>
        tpu.vector_store %arg7[%parallel_loop3A_240, %parallel_loop3A_241], %parallel_loop3A_244 {strides = array<i32>} : memref<256x128xf32, #tpu.memory_space<vmem>>, vector<1x16xf32>,
        %parallel_loop3A_245 = arith.index_cast %parallel_loop3A_208 : i32 to index
        %parallel_loop3A_246 = arith.constant 48 : index
        %parallel_loop3A_247 = tpu.vector_load %arg7[%parallel_loop3A_245, %parallel_loop3A_246] {strides = array<i32>} : memref<256x128xf32, #tpu.memory_space<vmem>>, vector<1x16xf32>,
        %parallel_loop3A_248 = vector.shape_cast %parallel_loop3A_247 : vector<1x16xf32> to vector<16xf32>
        %parallel_loop3A_249 = arith.constant 8.000000e+00 : f32
        %parallel_loop3A_250 = vector.broadcast %parallel_loop3A_249 : f32 to vector<16xf32>
        %parallel_loop3A_251 = arith.mulf %parallel_loop3A_248, %parallel_loop3A_250 : vector<16xf32>
        %parallel_loop3A_252 = arith.index_cast %parallel_loop3A_208 : i32 to index
        %parallel_loop3A_253 = arith.constant 48 : index
        %parallel_loop3A_254 = tpu.vector_load %arg7[%parallel_loop3A_252, %parallel_loop3A_253] {strides = array<i32>} : memref<256x128xf32, #tpu.memory_space<vmem>>, vector<1x16xf32>,
        %parallel_loop3A_255 = vector.shape_cast %parallel_loop3A_254 : vector<1x16xf32> to vector<16xf32>
        %parallel_loop3A_256 = vector.shape_cast %parallel_loop3A_251 : vector<16xf32> to vector<1x16xf32>
        tpu.vector_store %arg7[%parallel_loop3A_252, %parallel_loop3A_253], %parallel_loop3A_256 {strides = array<i32>} : memref<256x128xf32, #tpu.memory_space<vmem>>, vector<1x16xf32>,
      } {sc.loop_unroll_factor = 8 : i64, sc.parallel_access}
      %mul3A_141 = arith.constant 2 : i32
      %mul3A_142 = arith.muli %add3A_97, %mul3A_141 : i32
      %add3A_143 = arith.addi %mul3A_2, %mul3A_142 : i32
      %mul3A_144 = arith.constant 128 : i32
      %mul3A_145 = arith.muli %add3A_143, %mul3A_144 : i32
      %dma_start3A_146 = arith.constant 0 : i32
      %dma_start3A_147 = tpu.memref_slice %arg4[%mul3A_145, %dma_start3A_146] : memref<819200x128xf32, #tpu.memory_space<hbm>> -> memref<256x128xf32, #tpu.memory_space<hbm>>
      %dma_start3A_148 = arith.constant 0 : i32
      %dma_start3A_149 = tpu.memref_slice %arg4[%mul3A_145, %dma_start3A_148] : memref<819200x128xf32, #tpu.memory_space<hbm>> -> memref<256x128xf32, #tpu.memory_space<hbm>>
      tpu.enqueue_dma source(%arg7 : memref<256x128xf32, #tpu.memory_space<vmem>>) target(%dma_start3A_149 : memref<256x128xf32, #tpu.memory_space<hbm>>) target_semaphore(%arg11 : memref<!tpu.dma_semaphore, #tpu.memory_space<semaphore_mem>>)
      %mul3A_150 = arith.constant 2 : i32
      %mul3A_151 = arith.muli %mul3A_150, %scan3A_91 : i32
      %add3A_152 = arith.constant 1 : i32
      %add3A_153 = arith.addi %mul3A_151, %add3A_152 : i32
      %add3A_154 = arith.constant 1 : i32
      %add3A_155 = arith.addi %add3A_153, %add3A_154 : i32
      %dma_wait3A_156 = arith.constant 0 : i32
      %dma_wait3A_157 = arith.constant 0 : i32
      %dma_wait3A_158 = tpu.memref_slice %arg4[%dma_wait3A_156, %dma_wait3A_157] : memref<819200x128xf32, #tpu.memory_space<hbm>> -> memref<256x128xf32, #tpu.memory_space<hbm>>
      %dma_wait3A_159 = arith.constant 0 : i32
      %dma_wait3A_160 = arith.constant 0 : i32
      %dma_wait3A_161 = tpu.memref_slice %arg4[%dma_wait3A_159, %dma_wait3A_160] : memref<819200x128xf32, #tpu.memory_space<hbm>> -> memref<256x128xf32, #tpu.memory_space<hbm>>
      tpu.wait_dma2 semaphore(%arg11 : memref<!tpu.dma_semaphore, #tpu.memory_space<semaphore_mem>>) src(%arg7 : memref<256x128xf32, #tpu.memory_space<vmem>>) dst(%dma_wait3A_161 : memref<256x128xf32, #tpu.memory_space<hbm>>)
      %add3A_162 = arith.constant 1 : i32
      %add3A_163 = arith.addi %add3A_155, %add3A_162 : i32
      %mul3A_164 = arith.constant 2 : i32
      %mul3A_165 = arith.muli %add3A_163, %mul3A_164 : i32
      %add3A_166 = arith.constant 0 : i32
      %add3A_167 = arith.addi %mul3A_165, %add3A_166 : i32
      %dma_start3A_168 = arith.constant 0 : i32
      %dma_start3A_169 = arith.constant 0 : i32
      %dma_start3A_170 = tpu.memref_slice %arg7[%dma_start3A_168, %dma_start3A_169] : memref<256x128xf32, #tpu.memory_space<vmem>> -> memref<128x128xf32, #tpu.memory_space<vmem>>
      %dma_start3A_171 = arith.constant 0 : i32
      %dma_start3A_172 = tpu.memref_slice %arg5[%add3A_167, %dma_start3A_171] : memref<200x128xi32, #tpu.memory_space<vmem>> -> memref<1x128xi32, #tpu.memory_space<vmem>>
      %dma_start3A_173 = tpu.memref_squeeze %dma_start3A_172 : memref<1x128xi32, #tpu.memory_space<vmem>> -> memref<128xi32, #tpu.memory_space<vmem>>
      %dma_start3A_174 = arith.constant 0 : i32
      %dma_start3A_175 = arith.constant 0 : i32
      %dma_start3A_176 = tpu.memref_slice %arg3[%dma_start3A_174, %dma_start3A_175] : memref<1000000x128xf32, #tpu.memory_space<hbm>> -> memref<1000000x128xf32, #tpu.memory_space<hbm>>
      tpu.enqueue_indirect_dma source(%dma_start3A_176 : memref<1000000x128xf32, #tpu.memory_space<hbm>>) target(%dma_start3A_170 : memref<128x128xf32, #tpu.memory_space<vmem>>) offsets(%dma_start3A_173 : memref<128xi32, #tpu.memory_space<vmem>>) semaphore(%arg9 : memref<!tpu.dma_semaphore, #tpu.memory_space<semaphore_mem>>)
      %mul3A_177 = arith.constant 2 : i32
      %mul3A_178 = arith.muli %add3A_163, %mul3A_177 : i32
      %add3A_179 = arith.constant 1 : i32
      %add3A_180 = arith.addi %mul3A_178, %add3A_179 : i32
      %dma_start3A_181 = arith.constant 128 : i32
      %dma_start3A_182 = arith.constant 0 : i32
      %dma_start3A_183 = tpu.memref_slice %arg7[%dma_start3A_181, %dma_start3A_182] : memref<256x128xf32, #tpu.memory_space<vmem>> -> memref<128x128xf32, #tpu.memory_space<vmem>>
      %dma_start3A_184 = arith.constant 0 : i32
      %dma_start3A_185 = tpu.memref_slice %arg5[%add3A_180, %dma_start3A_184] : memref<200x128xi32, #tpu.memory_space<vmem>> -> memref<1x128xi32, #tpu.memory_space<vmem>>
      %dma_start3A_186 = tpu.memref_squeeze %dma_start3A_185 : memref<1x128xi32, #tpu.memory_space<vmem>> -> memref<128xi32, #tpu.memory_space<vmem>>
      %dma_start3A_187 = arith.constant 0 : i32
      %dma_start3A_188 = arith.constant 0 : i32
      %dma_start3A_189 = tpu.memref_slice %arg3[%dma_start3A_187, %dma_start3A_188] : memref<1000000x128xf32, #tpu.memory_space<hbm>> -> memref<1000000x128xf32, #tpu.memory_space<hbm>>
      tpu.enqueue_indirect_dma source(%dma_start3A_189 : memref<1000000x128xf32, #tpu.memory_space<hbm>>) target(%dma_start3A_183 : memref<128x128xf32, #tpu.memory_space<vmem>>) offsets(%dma_start3A_186 : memref<128xi32, #tpu.memory_space<vmem>>) semaphore(%arg9 : memref<!tpu.dma_semaphore, #tpu.memory_space<semaphore_mem>>)
      %dma_wait3A_190 = arith.constant 0 : i32
      %dma_wait3A_191 = arith.constant 0 : i32
      %dma_wait3A_192 = tpu.memref_slice %arg3[%dma_wait3A_190, %dma_wait3A_191] : memref<1000000x128xf32, #tpu.memory_space<hbm>> -> memref<256x128xf32, #tpu.memory_space<hbm>>
      %dma_wait3A_193 = arith.constant 0 : i32
      %dma_wait3A_194 = arith.constant 0 : i32
      %dma_wait3A_195 = tpu.memref_slice %arg3[%dma_wait3A_193, %dma_wait3A_194] : memref<1000000x128xf32, #tpu.memory_space<hbm>> -> memref<256x128xf32, #tpu.memory_space<hbm>>
      tpu.wait_dma2 semaphore(%arg8 : memref<!tpu.dma_semaphore, #tpu.memory_space<semaphore_mem>>) src(%dma_wait3A_195 : memref<256x128xf32, #tpu.memory_space<hbm>>) dst(%arg6 : memref<256x128xf32, #tpu.memory_space<vmem>>)
      %parallel_loop3A_196 = arith.constant 0 : i32
      %parallel_loop3A_197 = arith.constant 256 : i32
      %parallel_loop3A_198 = arith.constant 1 : i32
      scf.for %parallel_loop3A_208 = %parallel_loop3A_196 to %parallel_loop3A_197 step %parallel_loop3A_198  : i32 {
        %parallel_loop3A_209 = arith.index_cast %parallel_loop3A_208 : i32 to index
        %parallel_loop3A_210 = arith.constant 0 : index
        %parallel_loop3A_211 = tpu.vector_load %arg6[%parallel_loop3A_209, %parallel_loop3A_210] {strides = array<i32>} : memref<256x128xf32, #tpu.memory_space<vmem>>, vector<1x16xf32>,
        %parallel_loop3A_212 = vector.shape_cast %parallel_loop3A_211 : vector<1x16xf32> to vector<16xf32>
        %parallel_loop3A_213 = arith.constant 8.000000e+00 : f32
        %parallel_loop3A_214 = vector.broadcast %parallel_loop3A_213 : f32 to vector<16xf32>
        %parallel_loop3A_215 = arith.mulf %parallel_loop3A_212, %parallel_loop3A_214 : vector<16xf32>
        %parallel_loop3A_216 = arith.index_cast %parallel_loop3A_208 : i32 to index
        %parallel_loop3A_217 = arith.constant 0 : index
        %parallel_loop3A_218 = tpu.vector_load %arg6[%parallel_loop3A_216, %parallel_loop3A_217] {strides = array<i32>} : memref<256x128xf32, #tpu.memory_space<vmem>>, vector<1x16xf32>,
        %parallel_loop3A_219 = vector.shape_cast %parallel_loop3A_218 : vector<1x16xf32> to vector<16xf32>
        %parallel_loop3A_220 = vector.shape_cast %parallel_loop3A_215 : vector<16xf32> to vector<1x16xf32>
        tpu.vector_store %arg6[%parallel_loop3A_216, %parallel_loop3A_217], %parallel_loop3A_220 {strides = array<i32>} : memref<256x128xf32, #tpu.memory_space<vmem>>, vector<1x16xf32>,
        %parallel_loop3A_221 = arith.index_cast %parallel_loop3A_208 : i32 to index
        %parallel_loop3A_222 = arith.constant 16 : index
        %parallel_loop3A_223 = tpu.vector_load %arg6[%parallel_loop3A_221, %parallel_loop3A_222] {strides = array<i32>} : memref<256x128xf32, #tpu.memory_space<vmem>>, vector<1x16xf32>,
        %parallel_loop3A_224 = vector.shape_cast %parallel_loop3A_223 : vector<1x16xf32> to vector<16xf32>
        %parallel_loop3A_225 = arith.constant 8.000000e+00 : f32
        %parallel_loop3A_226 = vector.broadcast %parallel_loop3A_225 : f32 to vector<16xf32>
        %parallel_loop3A_227 = arith.mulf %parallel_loop3A_224, %parallel_loop3A_226 : vector<16xf32>
        %parallel_loop3A_228 = arith.index_cast %parallel_loop3A_208 : i32 to index
        %parallel_loop3A_229 = arith.constant 16 : index
        %parallel_loop3A_230 = tpu.vector_load %arg6[%parallel_loop3A_228, %parallel_loop3A_229] {strides = array<i32>} : memref<256x128xf32, #tpu.memory_space<vmem>>, vector<1x16xf32>,
        %parallel_loop3A_231 = vector.shape_cast %parallel_loop3A_230 : vector<1x16xf32> to vector<16xf32>
        %parallel_loop3A_232 = vector.shape_cast %parallel_loop3A_227 : vector<16xf32> to vector<1x16xf32>
        tpu.vector_store %arg6[%parallel_loop3A_228, %parallel_loop3A_229], %parallel_loop3A_232 {strides = array<i32>} : memref<256x128xf32, #tpu.memory_space<vmem>>, vector<1x16xf32>,
        %parallel_loop3A_233 = arith.index_cast %parallel_loop3A_208 : i32 to index
        %parallel_loop3A_234 = arith.constant 32 : index
        %parallel_loop3A_235 = tpu.vector_load %arg6[%parallel_loop3A_233, %parallel_loop3A_234] {strides = array<i32>} : memref<256x128xf32, #tpu.memory_space<vmem>>, vector<1x16xf32>,
        %parallel_loop3A_236 = vector.shape_cast %parallel_loop3A_235 : vector<1x16xf32> to vector<16xf32>
        %parallel_loop3A_237 = arith.constant 8.000000e+00 : f32
        %parallel_loop3A_238 = vector.broadcast %parallel_loop3A_237 : f32 to vector<16xf32>
        %parallel_loop3A_239 = arith.mulf %parallel_loop3A_236, %parallel_loop3A_238 : vector<16xf32>
        %parallel_loop3A_240 = arith.index_cast %parallel_loop3A_208 : i32 to index
        %parallel_loop3A_241 = arith.constant 32 : index
        %parallel_loop3A_242 = tpu.vector_load %arg6[%parallel_loop3A_240, %parallel_loop3A_241] {strides = array<i32>} : memref<256x128xf32, #tpu.memory_space<vmem>>, vector<1x16xf32>,
        %parallel_loop3A_243 = vector.shape_cast %parallel_loop3A_242 : vector<1x16xf32> to vector<16xf32>
        %parallel_loop3A_244 = vector.shape_cast %parallel_loop3A_239 : vector<16xf32> to vector<1x16xf32>
        tpu.vector_store %arg6[%parallel_loop3A_240, %parallel_loop3A_241], %parallel_loop3A_244 {strides = array<i32>} : memref<256x128xf32, #tpu.memory_space<vmem>>, vector<1x16xf32>,
        %parallel_loop3A_245 = arith.index_cast %parallel_loop3A_208 : i32 to index
        %parallel_loop3A_246 = arith.constant 48 : index
        %parallel_loop3A_247 = tpu.vector_load %arg6[%parallel_loop3A_245, %parallel_loop3A_246] {strides = array<i32>} : memref<256x128xf32, #tpu.memory_space<vmem>>, vector<1x16xf32>,
        %parallel_loop3A_248 = vector.shape_cast %parallel_loop3A_247 : vector<1x16xf32> to vector<16xf32>
        %parallel_loop3A_249 = arith.constant 8.000000e+00 : f32
        %parallel_loop3A_250 = vector.broadcast %parallel_loop3A_249 : f32 to vector<16xf32>
        %parallel_loop3A_251 = arith.mulf %parallel_loop3A_248, %parallel_loop3A_250 : vector<16xf32>
        %parallel_loop3A_252 = arith.index_cast %parallel_loop3A_208 : i32 to index
        %parallel_loop3A_253 = arith.constant 48 : index
        %parallel_loop3A_254 = tpu.vector_load %arg6[%parallel_loop3A_252, %parallel_loop3A_253] {strides = array<i32>} : memref<256x128xf32, #tpu.memory_space<vmem>>, vector<1x16xf32>,
        %parallel_loop3A_255 = vector.shape_cast %parallel_loop3A_254 : vector<1x16xf32> to vector<16xf32>
        %parallel_loop3A_256 = vector.shape_cast %parallel_loop3A_251 : vector<16xf32> to vector<1x16xf32>
        tpu.vector_store %arg6[%parallel_loop3A_252, %parallel_loop3A_253], %parallel_loop3A_256 {strides = array<i32>} : memref<256x128xf32, #tpu.memory_space<vmem>>, vector<1x16xf32>,
      } {sc.loop_unroll_factor = 8 : i64, sc.parallel_access}
      %mul3A_199 = arith.constant 2 : i32
      %mul3A_200 = arith.muli %add3A_155, %mul3A_199 : i32
      %add3A_201 = arith.addi %mul3A_2, %mul3A_200 : i32
      %mul3A_202 = arith.constant 128 : i32
      %mul3A_203 = arith.muli %add3A_201, %mul3A_202 : i32
      %dma_start3A_204 = arith.constant 0 : i32
      %dma_start3A_205 = tpu.memref_slice %arg4[%mul3A_203, %dma_start3A_204] : memref<819200x128xf32, #tpu.memory_space<hbm>> -> memref<256x128xf32, #tpu.memory_space<hbm>>
      %dma_start3A_206 = arith.constant 0 : i32
      %dma_start3A_207 = tpu.memref_slice %arg4[%mul3A_203, %dma_start3A_206] : memref<819200x128xf32, #tpu.memory_space<hbm>> -> memref<256x128xf32, #tpu.memory_space<hbm>>
      tpu.enqueue_dma source(%arg6 : memref<256x128xf32, #tpu.memory_space<vmem>>) target(%dma_start3A_207 : memref<256x128xf32, #tpu.memory_space<hbm>>) target_semaphore(%arg10 : memref<!tpu.dma_semaphore, #tpu.memory_space<semaphore_mem>>)
    }
    %scan3A_61 = arith.constant 49 : i32
    %dma_wait3A_62 = arith.constant 0 : i32
    %dma_wait3A_63 = arith.constant 0 : i32
    %dma_wait3A_64 = tpu.memref_slice %arg3[%dma_wait3A_62, %dma_wait3A_63] : memref<1000000x128xf32, #tpu.memory_space<hbm>> -> memref<256x128xf32, #tpu.memory_space<hbm>>
    %dma_wait3A_65 = arith.constant 0 : i32
    %dma_wait3A_66 = arith.constant 0 : i32
    %dma_wait3A_67 = tpu.memref_slice %arg3[%dma_wait3A_65, %dma_wait3A_66] : memref<1000000x128xf32, #tpu.memory_space<hbm>> -> memref<256x128xf32, #tpu.memory_space<hbm>>
    tpu.wait_dma2 semaphore(%arg9 : memref<!tpu.dma_semaphore, #tpu.memory_space<semaphore_mem>>) src(%dma_wait3A_67 : memref<256x128xf32, #tpu.memory_space<hbm>>) dst(%arg7 : memref<256x128xf32, #tpu.memory_space<vmem>>)
    %parallel_loop3A_68 = arith.constant 0 : i32
    %parallel_loop3A_69 = arith.constant 256 : i32
    %parallel_loop3A_70 = arith.constant 1 : i32
    scf.for %parallel_loop3A_91 = %parallel_loop3A_68 to %parallel_loop3A_69 step %parallel_loop3A_70  : i32 {
      %parallel_loop3A_92 = arith.index_cast %parallel_loop3A_91 : i32 to index
      %parallel_loop3A_93 = arith.constant 0 : index
      %parallel_loop3A_94 = tpu.vector_load %arg7[%parallel_loop3A_92, %parallel_loop3A_93] {strides = array<i32>} : memref<256x128xf32, #tpu.memory_space<vmem>>, vector<1x16xf32>,
      %parallel_loop3A_95 = vector.shape_cast %parallel_loop3A_94 : vector<1x16xf32> to vector<16xf32>
      %parallel_loop3A_96 = arith.constant 8.000000e+00 : f32
      %parallel_loop3A_97 = vector.broadcast %parallel_loop3A_96 : f32 to vector<16xf32>
      %parallel_loop3A_98 = arith.mulf %parallel_loop3A_95, %parallel_loop3A_97 : vector<16xf32>
      %parallel_loop3A_99 = arith.index_cast %parallel_loop3A_91 : i32 to index
      %parallel_loop3A_100 = arith.constant 0 : index
      %parallel_loop3A_101 = tpu.vector_load %arg7[%parallel_loop3A_99, %parallel_loop3A_100] {strides = array<i32>} : memref<256x128xf32, #tpu.memory_space<vmem>>, vector<1x16xf32>,
      %parallel_loop3A_102 = vector.shape_cast %parallel_loop3A_101 : vector<1x16xf32> to vector<16xf32>
      %parallel_loop3A_103 = vector.shape_cast %parallel_loop3A_98 : vector<16xf32> to vector<1x16xf32>
      tpu.vector_store %arg7[%parallel_loop3A_99, %parallel_loop3A_100], %parallel_loop3A_103 {strides = array<i32>} : memref<256x128xf32, #tpu.memory_space<vmem>>, vector<1x16xf32>,
      %parallel_loop3A_104 = arith.index_cast %parallel_loop3A_91 : i32 to index
      %parallel_loop3A_105 = arith.constant 16 : index
      %parallel_loop3A_106 = tpu.vector_load %arg7[%parallel_loop3A_104, %parallel_loop3A_105] {strides = array<i32>} : memref<256x128xf32, #tpu.memory_space<vmem>>, vector<1x16xf32>,
      %parallel_loop3A_107 = vector.shape_cast %parallel_loop3A_106 : vector<1x16xf32> to vector<16xf32>
      %parallel_loop3A_108 = arith.constant 8.000000e+00 : f32
      %parallel_loop3A_109 = vector.broadcast %parallel_loop3A_108 : f32 to vector<16xf32>
      %parallel_loop3A_110 = arith.mulf %parallel_loop3A_107, %parallel_loop3A_109 : vector<16xf32>
      %parallel_loop3A_111 = arith.index_cast %parallel_loop3A_91 : i32 to index
      %parallel_loop3A_112 = arith.constant 16 : index
      %parallel_loop3A_113 = tpu.vector_load %arg7[%parallel_loop3A_111, %parallel_loop3A_112] {strides = array<i32>} : memref<256x128xf32, #tpu.memory_space<vmem>>, vector<1x16xf32>,
      %parallel_loop3A_114 = vector.shape_cast %parallel_loop3A_113 : vector<1x16xf32> to vector<16xf32>
      %parallel_loop3A_115 = vector.shape_cast %parallel_loop3A_110 : vector<16xf32> to vector<1x16xf32>
      tpu.vector_store %arg7[%parallel_loop3A_111, %parallel_loop3A_112], %parallel_loop3A_115 {strides = array<i32>} : memref<256x128xf32, #tpu.memory_space<vmem>>, vector<1x16xf32>,
      %parallel_loop3A_116 = arith.index_cast %parallel_loop3A_91 : i32 to index
      %parallel_loop3A_117 = arith.constant 32 : index
      %parallel_loop3A_118 = tpu.vector_load %arg7[%parallel_loop3A_116, %parallel_loop3A_117] {strides = array<i32>} : memref<256x128xf32, #tpu.memory_space<vmem>>, vector<1x16xf32>,
      %parallel_loop3A_119 = vector.shape_cast %parallel_loop3A_118 : vector<1x16xf32> to vector<16xf32>
      %parallel_loop3A_120 = arith.constant 8.000000e+00 : f32
      %parallel_loop3A_121 = vector.broadcast %parallel_loop3A_120 : f32 to vector<16xf32>
      %parallel_loop3A_122 = arith.mulf %parallel_loop3A_119, %parallel_loop3A_121 : vector<16xf32>
      %parallel_loop3A_123 = arith.index_cast %parallel_loop3A_91 : i32 to index
      %parallel_loop3A_124 = arith.constant 32 : index
      %parallel_loop3A_125 = tpu.vector_load %arg7[%parallel_loop3A_123, %parallel_loop3A_124] {strides = array<i32>} : memref<256x128xf32, #tpu.memory_space<vmem>>, vector<1x16xf32>,
      %parallel_loop3A_126 = vector.shape_cast %parallel_loop3A_125 : vector<1x16xf32> to vector<16xf32>
      %parallel_loop3A_127 = vector.shape_cast %parallel_loop3A_122 : vector<16xf32> to vector<1x16xf32>
      tpu.vector_store %arg7[%parallel_loop3A_123, %parallel_loop3A_124], %parallel_loop3A_127 {strides = array<i32>} : memref<256x128xf32, #tpu.memory_space<vmem>>, vector<1x16xf32>,
      %parallel_loop3A_128 = arith.index_cast %parallel_loop3A_91 : i32 to index
      %parallel_loop3A_129 = arith.constant 48 : index
      %parallel_loop3A_130 = tpu.vector_load %arg7[%parallel_loop3A_128, %parallel_loop3A_129] {strides = array<i32>} : memref<256x128xf32, #tpu.memory_space<vmem>>, vector<1x16xf32>,
      %parallel_loop3A_131 = vector.shape_cast %parallel_loop3A_130 : vector<1x16xf32> to vector<16xf32>
      %parallel_loop3A_132 = arith.constant 8.000000e+00 : f32
      %parallel_loop3A_133 = vector.broadcast %parallel_loop3A_132 : f32 to vector<16xf32>
      %parallel_loop3A_134 = arith.mulf %parallel_loop3A_131, %parallel_loop3A_133 : vector<16xf32>
      %parallel_loop3A_135 = arith.index_cast %parallel_loop3A_91 : i32 to index
      %parallel_loop3A_136 = arith.constant 48 : index
      %parallel_loop3A_137 = tpu.vector_load %arg7[%parallel_loop3A_135, %parallel_loop3A_136] {strides = array<i32>} : memref<256x128xf32, #tpu.memory_space<vmem>>, vector<1x16xf32>,
      %parallel_loop3A_138 = vector.shape_cast %parallel_loop3A_137 : vector<1x16xf32> to vector<16xf32>
      %parallel_loop3A_139 = vector.shape_cast %parallel_loop3A_134 : vector<16xf32> to vector<1x16xf32>
      tpu.vector_store %arg7[%parallel_loop3A_135, %parallel_loop3A_136], %parallel_loop3A_139 {strides = array<i32>} : memref<256x128xf32, #tpu.memory_space<vmem>>, vector<1x16xf32>,
    } {sc.loop_unroll_factor = 8 : i64, sc.parallel_access}
    %add3A_71 = arith.constant 198 : i32
    %add3A_72 = arith.addi %mul3A_2, %add3A_71 : i32
    %mul3A_73 = arith.constant 128 : i32
    %mul3A_74 = arith.muli %add3A_72, %mul3A_73 : i32
    %dma_start3A_75 = arith.constant 0 : i32
    %dma_start3A_76 = tpu.memref_slice %arg4[%mul3A_74, %dma_start3A_75] : memref<819200x128xf32, #tpu.memory_space<hbm>> -> memref<256x128xf32, #tpu.memory_space<hbm>>
    %dma_start3A_77 = arith.constant 0 : i32
    %dma_start3A_78 = tpu.memref_slice %arg4[%mul3A_74, %dma_start3A_77] : memref<819200x128xf32, #tpu.memory_space<hbm>> -> memref<256x128xf32, #tpu.memory_space<hbm>>
    tpu.enqueue_dma source(%arg7 : memref<256x128xf32, #tpu.memory_space<vmem>>) target(%dma_start3A_78 : memref<256x128xf32, #tpu.memory_space<hbm>>) target_semaphore(%arg11 : memref<!tpu.dma_semaphore, #tpu.memory_space<semaphore_mem>>)
    %dma_wait3A_79 = arith.constant 0 : i32
    %dma_wait3A_80 = arith.constant 0 : i32
    %dma_wait3A_81 = tpu.memref_slice %arg4[%dma_wait3A_79, %dma_wait3A_80] : memref<819200x128xf32, #tpu.memory_space<hbm>> -> memref<256x128xf32, #tpu.memory_space<hbm>>
    %dma_wait3A_82 = arith.constant 0 : i32
    %dma_wait3A_83 = arith.constant 0 : i32
    %dma_wait3A_84 = tpu.memref_slice %arg4[%dma_wait3A_82, %dma_wait3A_83] : memref<819200x128xf32, #tpu.memory_space<hbm>> -> memref<256x128xf32, #tpu.memory_space<hbm>>
    tpu.wait_dma2 semaphore(%arg10 : memref<!tpu.dma_semaphore, #tpu.memory_space<semaphore_mem>>) src(%arg6 : memref<256x128xf32, #tpu.memory_space<vmem>>) dst(%dma_wait3A_84 : memref<256x128xf32, #tpu.memory_space<hbm>>)
    %dma_wait3A_85 = arith.constant 0 : i32
    %dma_wait3A_86 = arith.constant 0 : i32
    %dma_wait3A_87 = tpu.memref_slice %arg4[%dma_wait3A_85, %dma_wait3A_86] : memref<819200x128xf32, #tpu.memory_space<hbm>> -> memref<256x128xf32, #tpu.memory_space<hbm>>
    %dma_wait3A_88 = arith.constant 0 : i32
    %dma_wait3A_89 = arith.constant 0 : i32
    %dma_wait3A_90 = tpu.memref_slice %arg4[%dma_wait3A_88, %dma_wait3A_89] : memref<819200x128xf32, #tpu.memory_space<hbm>> -> memref<256x128xf32, #tpu.memory_space<hbm>>
    tpu.wait_dma2 semaphore(%arg11 : memref<!tpu.dma_semaphore, #tpu.memory_space<semaphore_mem>>) src(%arg7 : memref<256x128xf32, #tpu.memory_space<vmem>>) dst(%dma_wait3A_90 : memref<256x128xf32, #tpu.memory_space<hbm>>)
    return
  }
}

</mosaic_0001>

<sc_bundles>
// kernel: kernel.3.cloned.1.call-start
scs
__scs_entry_jumppad:
0x0: {  	(pc) =	sbr.rel $0x88, $3  }
0x1: {  	(tag) =	ssettag $0x0;
	lr =	simm.s32 $0x1  }
0x2: {  	[smem:$0x3F9F] =	sst lr;
	_ =	strace $0xD0000000  }
0x3: {  	_ = 	snop  }
0x4: {  	_ = 	snop  }
0x5: {  	_ = 	snop  }
0x6: {  	_ = 	snop  }
0x7: {  	_ = 	snop  }
__scs_overlays_trampoline_lowered:
0x8: {  	[smem:$0x3FAE] =	sst s0  }
0x9: {  	[smem:$0x3FAF] =	sst s1  }
0xa: {  	[smem:$0x3FB0] =	sst s2  }
0xb: {  	[smem:$0x3FB1] =	sst s3  }
0xc: {  	[smem:$0x3FB2] =	sst s4  }
0xd: {  	[smem:$0x3FB3] =	sst s5  }
0xe: {  	[smem:$0x3FB4] =	sst s6  }
0xf: {  	[smem:$0x3FB5] =	sst s7  }
0x10: {  	[smem:$0x3FB6] =	sst s8  }
0x11: {  	[smem:$0x3FB7] =	sst s9;
	s0 =	simm.s32 @!p0 $0x0  }
0x12: {  	s1 =	sld [smem:$0x3F9D];
	s0 =	simm.s32 @p0 $0x1  }
0x13: {  	[smem:$0x3FB8] =	sst s0;
	s0 =	simm.s32 @!p1 $0x0  }
0x14: {  	s2 =	sld [smem:$0x3F9C];
	s0 =	simm.s32 @p1 $0x1  }
0x15: {  	[smem:$0x3FB9] =	sst s0;
	s0 =	simm.s32 @!p2 $0x0  }
0x16: {  	s3 =	sld [smem:$0x3FDB];
	s0 =	simm.s32 @p2 $0x1  }
0x17: {  	s4 =	simm.s32 $0x1BF5;
	[smem:$0x3FBB] =	sst s0  }
0x18: {  	s0 =	sld [smem:$0x3F9E];
	_ =	swait.ge [sflag:s4], $0x0  }
0x19: {  	s7 =	sld [smem:$0x3F9F]  }
0x1a: {  	s8 =	sadd.s32 $0xFFFFE003, lr  }
0x1b: {  	s9 =	sadd.s32 $0xFFFFFEF7, lr;
	s5 =	simm.s32 $0xFFFFFFFF;
	p2 =	slt.u32 s8, $0xFFFFF086  }
0x1c: {  	p1 =	slt.u32 s9, $0xF7A;
	s5 =	simm.s32 @!p2 $0x0  }
0x1d: {  	s5 =	simm.s32 @p1 $0x1;
	p0 =	seq.s32 s7, s2  }
0x1e: {  	s7 =	smul.u32 @!p0 $0xF7A, s2;
	p2 =	seq.s32 @!p0 s5, $0x0  }
0x1f: {  	s9 =	smul.u32 $0xF7A, s1;
	s8 =	simm.s32 @!p0 $0x1BF5;
	p2 =	por !p2, p0  }
0x20: {  	[sflag:s8] =	ssyncset.s32 @!p0 $0xFFFFF086;
	s6 =	sadd.s32 @!p0 s3, s7;
	s7 =	simm.s32 @!p0 $0x108  }
0x21: {  	s3 =	sadd.s32 s3, s9;
	s6 =	sadd.s32 @!p0 $0x88, s6;
	s7 =	simm.s32 @p2 $0x1082  }
0x22: {  	[simem:s7], [sflag:s8] =	dma.local @!p0 [hbm:s6], $0xF7A  }
0x23: {  	s9 =	sor.u32 $0xD0000000, s2;
	s6 =	simm.s32 $0x108;
	_ =	swait.ge @!p0 [sflag:s8], $0x0  }
0x24: {  	s3 =	sadd.s32 $0x88, s3;
	s6 =	simm.s32 @!p1 $0x1082;
	[sflag:s4] =	ssyncset.s32 $0xFFFFF086  }
0x25: {  	[simem:s6], [sflag:s4] =	dma.local [hbm:s3], $0xF7A  }
0x26: {  	[smem:$0x3F9F] =	sst s1;
	(tag) =	ssettag s2;
	_ =	strace s9  }
0x27: {  	s1 =	sld [smem:$0x3FAF]  }
0x28: {  	s2 =	sld [smem:$0x3FB0]  }
0x29: {  	s4 =	sld [smem:$0x3FB2]  }
0x2a: {  	p0 =	seq.s32 s5, $0x0;
	s5 =	sld [smem:$0x3FB3]  }
0x2b: {  	s6 =	sld [smem:$0x3FB4]  }
0x2c: {  	s7 =	sld [smem:$0x3FB5]  }
0x2d: {  	s3 =	simm.s32 $0x108;
	s8 =	sld [smem:$0x3FB6]  }
0x2e: {  	s3 =	simm.s32 @!p0 $0x1082;
	s9 =	sld [smem:$0x3FB7]  }
0x2f: {  	lr =	sadd.s32 s0, s3;
	s0 =	sld [smem:$0x3FAE]  }
0x30: {  	s3 =	sld [smem:$0x3FB1]  }
0x31: {  	[smem:$0x3FBA] =	sst s10  }
0x32: {  	s10 =	sld [smem:$0x3FB8];
	_ =	sdelay $0x3  }
0x33: {  	p0 =	seq.s32 s10, $0x1;
	s10 =	sld [smem:$0x3FBA];
	_ =	sdelay $0x3  }
0x34: {  	[smem:$0x3FBA] =	sst s10  }
0x35: {  	s10 =	sld [smem:$0x3FB9];
	_ =	sdelay $0x3  }
0x36: {  	p1 =	seq.s32 s10, $0x1;
	s10 =	sld [smem:$0x3FBA];
	_ =	sdelay $0x3  }
0x37: {  	[smem:$0x3FBA] =	sst s10  }
0x38: {  	s10 =	sld [smem:$0x3FBB]  }
0x39: {  	_ = 	snop;
	(pc) =	sbr.ind lr, $3  }
0x3a: {  	_ = 	snop  }
0x3b: {  	_ = 	snop  }
0x3c: {  	p2 =	seq.s32 s10, $0x1;
	s10 =	sld [smem:$0x3FBA]  }
0x3d: {  	_ =	shalt  }
0x3e: {  	_ =	shalt  }
0x3f: {  	_ =	shalt  }
0x40: {  	_ =	shalt  }
0x41: {  	_ =	shalt  }
0x42: {  	_ =	shalt  }
0x43: {  	_ =	shalt  }
0x44: {  	_ =	shalt  }
0x45: {  	_ =	shalt  }
0x46: {  	_ =	shalt  }
0x47: {  	_ =	shalt  }
0x48: {  	_ =	shalt  }
0x49: {  	_ =	shalt  }
0x4a: {  	_ =	shalt  }
0x4b: {  	_ =	shalt  }
0x4c: {  	_ =	shalt  }
0x4d: {  	_ =	shalt  }
0x4e: {  	_ =	shalt  }
0x4f: {  	_ =	shalt  }
0x50: {  	_ =	shalt  }
0x51: {  	_ =	shalt  }
0x52: {  	_ =	shalt  }
0x53: {  	_ =	shalt  }
0x54: {  	_ =	shalt  }
0x55: {  	_ =	shalt  }
0x56: {  	_ =	shalt  }
0x57: {  	_ =	shalt  }
0x58: {  	_ =	shalt  }
0x59: {  	_ =	shalt  }
0x5a: {  	_ =	shalt  }
0x5b: {  	_ =	shalt  }
0x5c: {  	_ =	shalt  }
0x5d: {  	_ =	shalt  }
0x5e: {  	_ =	shalt  }
0x5f: {  	_ =	shalt  }
0x60: {  	_ =	shalt  }
0x61: {  	_ =	shalt  }
0x62: {  	_ =	shalt  }
0x63: {  	_ =	shalt  }
0x64: {  	_ =	shalt  }
0x65: {  	_ =	shalt  }
0x66: {  	_ =	shalt  }
0x67: {  	_ =	shalt  }
0x68: {  	_ =	shalt  }
0x69: {  	_ =	shalt  }
0x6a: {  	_ =	shalt  }
0x6b: {  	_ =	shalt  }
0x6c: {  	_ =	shalt  }
0x6d: {  	_ =	shalt  }
0x6e: {  	_ =	shalt  }
0x6f: {  	_ =	shalt  }
0x70: {  	_ =	shalt  }
0x71: {  	_ =	shalt  }
0x72: {  	_ =	shalt  }
0x73: {  	_ =	shalt  }
0x74: {  	_ =	shalt  }
0x75: {  	_ =	shalt  }
0x76: {  	_ =	shalt  }
0x77: {  	_ =	shalt  }
0x78: {  	_ =	shalt  }
0x79: {  	_ =	shalt  }
0x7a: {  	_ =	shalt  }
0x7b: {  	_ =	shalt  }
0x7c: {  	_ =	shalt  }
0x7d: {  	_ =	shalt  }
0x7e: {  	_ =	shalt  }
0x7f: {  	_ =	shalt  }
0x80: {  	_ =	shalt  }
0x81: {  	_ =	shalt  }
0x82: {  	_ =	shalt  }
0x83: {  	_ =	shalt  }
0x84: {  	_ =	shalt  }
0x85: {  	_ =	shalt  }
0x86: {  	_ =	shalt  }
0x87: {  	_ =	shalt  }
.Lfunc_end0:
.L_simem_size_0:
called_computation.1_lowered:
.L_overlay_start_0:
0x88: {  	s2 =	sld [smem:$0x3FD9]  }
0x89: {  	s3 =	sld [smem:$0x3FFE];
	_ =	sdelay $0x1  }
0x8a: {  	s1 =	srdreg.scid  }
0x8b: {  	s0 =	sand.u32 $0x1, s1  }
0x8c: {  	s17 =	sshll.u32 s0, $0xA;
	s2 =	sadd.s32 s3, s2  }
0x8d: {  	s2 =	sadd.s32 s2, s17  }
0x8e: {  	[smem:$0x3FC6] =	sst s2  }
0x8f: {  	_ = 	snop  }
0x90: {  	s2 =	sld [smem:$0x3FD0];
	(tm) =	ssettm $0x1  }
0x91: {  	s18 =	sld [smem:$0x3FFB];
	_ =	sdelay $0x3  }
0x92: {  	_ =	strace s18  }
0x93: {  	s3 =	sld [smem:$0x3FFC];
	_ =	sdelay $0x3  }
0x94: {  	_ =	strace s3  }
0x95: {  	s3 =	sld [smem:$0x3FFD];
	_ =	sdelay $0x3  }
0x96: {  	_ =	strace s3  }
0x97: {  	_ =	strace $0x8FFFFFFF  }
0x98: {  	s19 =	sld [smem:$0x3FDB];
	_ =	sdelay $0x1  }
0x99: {  	s4 =	simm.s32 $_scs_section_size  }
0x9a: {  	s5 =	simm.s32 $_size__tile_overlayer_lowered;
	s6 =	simm.s32 $_tile_overlayer_lowered  }
0x9b: {  	s22 =	simm.s32 $0x1BFF;
	s21 =	sshll.u32 s6, $0x1;
	s3 =	sadd.s32 s4, s19  }
0x9c: {  	s7 =	simm.s32 $0x0;
	s20 =	sshll.u32 s5, $0x1;
	s5 =	sadd.s32 s21, s3  }
0x9d: {  	[timem:s7], [sflag:s22] =	dma.local [hbm:s5], s20  }
0x9e: {  	_ =	swait.ge [sflag:s22], s20  }
0x9f: {  	s4 =	ssub.s32 $0x0, s20;
	[sflag:s22] =	ssyncset.done $0x0  }
0xa0: {  	[sflag:s22] =	ssyncadd.s32 s4;
	_ =	sdelay $0x1  }
0xa1: {  	s23 =	simm.s32 $0x1B8B  }
0xa2: {  	_ =	swait.ge [sflag:s23], $0x1  }
0xa3: {  	[sflag:s23] =	ssyncset.done $0x0  }
0xa4: {  	s25 =	simm.s32 $0x1B8E;
	s24 =	sld [smem:$0x3FFE];
	[sflag:s23] =	ssyncadd.s32 $0xFFFFFFFF  }
0xa5: {  	s26 =	simm.s32 $execute0_lowered;
	[smem:$0x3FD2] =	sst s25  }
0xa6: {  	s5 =	sshll.u32 s26, $0x1;
	_ =	strace $0x80000046;
	[dreg:$0x1] =	wrdreg $0xFFFFFFFF  }
0xa7: {  	s28 =	simm.s32 $_size_execute0_lowered;
	s3 =	sadd.s32 s3, s5;
	[dreg:$0x0] =	wrdreg $0x0  }
0xa8: {  	s5 =	sshll.u32 s28, $0x1;
	[dreg:$0x2] =	wrdreg s3  }
0xa9: {  	[dreg:$0x3] =	wrdreg s5  }
0xaa: {  	[dreg:$0x4] =	wrdreg $0xC0  }
0xab: {  	_ =	task [dreg:s7], $0x5FFFF  }
0xac: {  	[dreg:$0x1] =	wrdreg $0xFFFFFFFF  }
0xad: {  	[dreg:$0x0] =	wrdreg $0x60  }
0xae: {  	[dreg:$0x2] =	wrdreg s2  }
0xaf: {  	[dreg:$0x3] =	wrdreg s24  }
0xb0: {  	[dreg:$0x4] =	wrdreg $0x9  }
0xb1: {  	_ =	task.clear_ibuf [dreg:s7], $0x5FFFF;
	_ =	strace $0x90000046  }
0xb2: {  	s29 =	simm.s32 $0x9;
	_ =	strace $0x80000048  }
0xb3: {  	_ =	swait.ge [sflag:s29], $0x1  }
0xb4: {  	[sflag:s29] =	ssyncadd.s32 $0xFFFFFFFF  }
0xb5: {  	_ =	strace $0x90000048  }
0xb6: {  	_ =	sfence  }
0xb7: {  	s30 =	sld [smem:$0x0];
	_ =	sdelay $0x2  }
0xb8: {  	s31 =	sshll.u32 s1, $0xD;
	s1 =	sshrl.u32 s1, $0x2  }
0xb9: {  	s3 =	sand.u32 $0x4000, s31;
	s1 =	sadd.s32 s1, s30  }
0xba: {  	s0 =	sor.u32 s3, s0;
	s1 =	sshll.u32 s1, $0x11  }
0xbb: {  	s0 =	sor.u32 s1, s0  }
0xbc: {  	s0 =	sadd.s32 $0x8F2B, s0  }
0xbd: {  	[sflag:s0] =	ssyncadd.remote.s32 $0x1  }
0xbe: {  	_ =	sfence.sel $0xFFFF  }
0xbf: {  	[dreg:$0x0] =	wrdreg $0xFFFFFFFF;
	(pc) =	sbr.abs _section_cstart, $3  }
0xc0: {  	[dreg:$0x1] =	wrdreg $0xFFFFFFFF  }
0xc1: {  	_ =	task.clear_ibuf [dreg:s7], $0x2FFFF;
	_ =	strace $0x9FFFFFFF  }
0xc2: {  	(tm) =	ssettm $0x7FFFFFFF  }
0xc3: {  	_ =	shalt  }
tec
execute0_lowered:
.L_overlay_start_1:
0x0: {  	(tag) =	ssettag $0x1  }
0x1: {  	s6 =	rddreg [dreg:$0x0];
	s1 =	srdreg.scid  }
0x2: {  	s0 =	stileid.u32;
	s5 =	rddreg [dreg:$0x1]  }
0x3: {  	s2 =	simm.s32 $0x0;
	s12 =	simm.s32 $0x80;
	s13 =	simm.s32 $0x6400  }
0x4: {  	s14 =	simm.s32 $0xA400;
	s15 =	simm.s32 $0x100;
	s16 =	simm.s32 $0xE400  }
0x5: {  	s17 =	simm.s32 $0x180;
	s18 =	simm.s32 $0x12400;
	s19 =	simm.s32 $0x1  }
0x6: {  	s20 =	simm.s32 $0x3;
	s7 =	sand.u32 $0x1, s1;
	s3 =	sshll.u32 s0, $0x1  }
0x7: {  	s21 =	simm.s32 $0x2;
	s22 =	simm.s32 $0x4;
	s8 =	sor.u32 s7, s3  }
0x8: {  	s23 =	simm.s32 $0x0;
	s1 =	rddreg [dreg:$0x2];
	s3 =	smul.u32 $0xC8, s8  }
0x9: {  	[smem:$0x7FF] =	sst s2;
	s4 =	sadd.s32 $0xF42E00, s5;
	s9 =	smul.u32 $0xC80, s8  }
0xa: {  	s5 =	sadd.s32 $0xA00, s5;
	s7 =	ssub.s32 $0x2, s7;
	s10 =	smul.u32 $0x320000, s8  }
0xb: {  	_ =	strace $0x80000047;
	s11 =	sshrl.u32 s7, $0x1;
	s8 =	smul.u32 $0x64000, s8  }
0xc: {  	s11 =	ssub.s32 s7, s11;
	s6 =	sadd.s32 s6, s9;
	s31 =	sshrl.u32 s10, $0x3  }
0xd: {  	s7 =	sadd.s32 s5, s8;
	s8 =	sor.u32 $0x2, s3;
	s9 =	sadd.s32 s5, s31  }
0xe: {  	s10 =	smax.u32 s11, $0x1;
	s11 =	simm.s32 $0x5;
	s9 =	sadd.s32 $0x63000, s9  }
.LBB2_1:
0xf: {  	[tilespmem:s2], [sflag:$0x5] =	stream.linear.gather [hbm4b:s6+s2], $0x6400, $0x38;
	[tilespmem:$0x16400] =	vst v63  }
0x10: {  	_ =	swait.ge [sflag:s11], $0x6400  }
0x11: {  	[sflag:s11] =	ssyncset.done $0x0  }
0x12: {  	[sflag:s11] =	ssyncadd.s32 $0xFFFF9C00  }
0x13: {  	[tilespmem:s13], [sflag:$0x1] =	stream.indirect.gather [hbm4b:s4+s12], $0x80, s2, s12, $0xb8;
	[tilespmem:$0x16400] =	vst v63  }
0x14: {  	_ = 	snop  }
0x15: {  	[tilespmem:s14], [sflag:$0x1] =	stream.indirect.gather [hbm4b:s4+s12], $0x80, s12, s12, $0xb8;
	[tilespmem:$0x16400] =	vst v63  }
0x16: {  	_ = 	snop  }
0x17: {  	[tilespmem:s16], [sflag:$0x2] =	stream.indirect.gather [hbm4b:s4+s12], $0x80, s15, s12, $0xb8;
	[tilespmem:$0x16400] =	vst v63  }
0x18: {  	_ = 	snop  }
0x19: {  	[tilespmem:s18], [sflag:$0x2] =	stream.indirect.gather [hbm4b:s4+s12], $0x80, s17, s12, $0xb8;
	[tilespmem:$0x16400] =	vst v63  }
0x1a: {  	_ =	swait.ge [sflag:s19], $0x8000  }
0x1b: {  	[sflag:s19] =	ssyncset.done $0x0  }
0x1c: {  	s24 =	simm.s32 $0x6600;
	[sflag:s19] =	ssyncadd.s32 $0xFFFF8000  }
0x1d: {  	v0 =	vld [tilespmem:s24+$0x1B0]  }
0x1e: {  	v1 =	vld [tilespmem:s24+$0xFFFFFE10]  }
0x1f: {  	v2 =	vld [tilespmem:s24+$0xFFFFFE20]  }
0x20: {  	v3 =	vld [tilespmem:s24+$0xFFFFFE30]  }
0x21: {  	v4 =	vld [tilespmem:s24+$0xFFFFFE80]  }
0x22: {  	v5 =	vld [tilespmem:s24+$0xFFFFFE90];
	v0 =	vmul.f32 $8.000000000e+00, v0  }
0x23: {  	v6 =	vld [tilespmem:s24+$0xFFFFFEA0];
	v1 =	vmul.f32 $8.000000000e+00, v1  }
0x24: {  	v7 =	vld [tilespmem:s24+$0xFFFFFEB0];
	v2 =	vmul.f32 $8.000000000e+00, v2;
	[tilespmem:s24+$0x1B0] =	vst v0  }
0x25: {  	[tilespmem:s24+$0xFFFFFE10] =	vst v1;
	v0 =	vmul.f32 $8.000000000e+00, v3;
	v1 =	vld [tilespmem:s24+$0xFFFFFF00]  }
0x26: {  	[tilespmem:s24+$0xFFFFFE20] =	vst v2;
	v2 =	vmul.f32 $8.000000000e+00, v4;
	v3 =	vld [tilespmem:s24+$0xFFFFFF10]  }
0x27: {  	v4 =	vld [tilespmem:s24+$0xFFFFFF20];
	[tilespmem:s24+$0xFFFFFE30] =	vst v0;
	v0 =	vmul.f32 $8.000000000e+00, v5  }
0x28: {  	[tilespmem:s24+$0xFFFFFE80] =	vst v2;
	v2 =	vmul.f32 $8.000000000e+00, v6;
	v5 =	vld [tilespmem:s24+$0xFFFFFF30]  }
0x29: {  	v6 =	vld [tilespmem:s24+$0xFFFFFF80];
	[tilespmem:s24+$0xFFFFFE90] =	vst v0;
	v0 =	vmul.f32 $8.000000000e+00, v7  }
0x2a: {  	[tilespmem:s24+$0xFFFFFEA0] =	vst v2;
	v2 =	vld [tilespmem:s24+$0xFFFFFF90];
	v1 =	vmul.f32 $8.000000000e+00, v1  }
0x2b: {  	[tilespmem:s24+$0xFFFFFEB0] =	vst v0;
	v0 =	vmul.f32 $8.000000000e+00, v3;
	v3 =	vld [tilespmem:s24+$0xFFFFFFA0]  }
0x2c: {  	[tilespmem:s24+$0xFFFFFF00] =	vst v1;
	v1 =	vmul.f32 $8.000000000e+00, v4;
	v4 =	vld [tilespmem:s24+$0xFFFFFFB0]  }
0x2d: {  	[tilespmem:s24+$0xFFFFFF10] =	vst v0;
	v0 =	vmul.f32 $8.000000000e+00, v5;
	v5 =	vld [tilespmem:s24+$0x0]  }
0x2e: {  	[tilespmem:s24+$0xFFFFFF20] =	vst v1;
	v1 =	vmul.f32 $8.000000000e+00, v6;
	v6 =	vld [tilespmem:s24+$0x10]  }
0x2f: {  	[tilespmem:s24+$0xFFFFFF30] =	vst v0;
	v0 =	vmul.f32 $8.000000000e+00, v2;
	v2 =	vld [tilespmem:s24+$0x20]  }
0x30: {  	[tilespmem:s24+$0xFFFFFF80] =	vst v1;
	v1 =	vmul.f32 $8.000000000e+00, v3;
	v3 =	vld [tilespmem:s24+$0x30]  }
0x31: {  	[tilespmem:s24+$0xFFFFFF90] =	vst v0;
	v0 =	vmul.f32 $8.000000000e+00, v4;
	v4 =	vld [tilespmem:s24+$0x80]  }
0x32: {  	[tilespmem:s24+$0xFFFFFFA0] =	vst v1;
	v1 =	vmul.f32 $8.000000000e+00, v5;
	v5 =	vld [tilespmem:s24+$0x90]  }
0x33: {  	[tilespmem:s24+$0xFFFFFFB0] =	vst v0;
	v0 =	vmul.f32 $8.000000000e+00, v6;
	v6 =	vld [tilespmem:s24+$0xA0]  }
0x34: {  	[tilespmem:s24+$0x0] =	vst v1;
	v1 =	vmul.f32 $8.000000000e+00, v2;
	v2 =	vld [tilespmem:s24+$0xB0]  }
0x35: {  	[tilespmem:s24+$0x10] =	vst v0;
	v0 =	vmul.f32 $8.000000000e+00, v3;
	v3 =	vld [tilespmem:s24+$0x100]  }
0x36: {  	[tilespmem:s24+$0x20] =	vst v1;
	v1 =	vmul.f32 $8.000000000e+00, v4;
	v4 =	vld [tilespmem:s24+$0x110]  }
0x37: {  	v7 =	vld [tilespmem:s24+$0x120];
	[tilespmem:s24+$0x30] =	vst v0;
	v5 =	vmul.f32 $8.000000000e+00, v5  }
0x38: {  	v0 =	vld [tilespmem:s24+$0x130];
	[tilespmem:s24+$0x80] =	vst v1;
	v6 =	vmul.f32 $8.000000000e+00, v6  }
0x39: {  	v1 =	vld [tilespmem:s24+$0x180];
	[tilespmem:s24+$0x90] =	vst v5;
	v5 =	vmul.f32 $8.000000000e+00, v2  }
0x3a: {  	v2 =	vld [tilespmem:s24+$0x190];
	[tilespmem:s24+$0xA0] =	vst v6;
	v6 =	vmul.f32 $8.000000000e+00, v3  }
0x3b: {  	v3 =	vld [tilespmem:s24+$0x1A0];
	[tilespmem:s24+$0xB0] =	vst v5;
	v5 =	vmul.f32 $8.000000000e+00, v4  }
0x3c: {  	s25 =	simm.s32 $0x0;
	s26 =	simm.s32 $0x6A00;
	v4 =	vld [tilespmem:s24+$0xFFFFFE00];
	[tilespmem:s24+$0x100] =	vst v6;
	v6 =	vmul.f32 $8.000000000e+00, v7  }
.LBB2_2:
0x3d: {  	v7 =	vld [tilespmem:s26+$0x1B0];
	s25 =	sadd.s32 $0x8, s25;
	[tilespmem:s24+$0x110] =	vst v5;
	v0 =	vmul.f32 $8.000000000e+00, v0  }
0x3e: {  	v5 =	vld [tilespmem:s26+$0xFFFFFE10];
	p0 =	slt.u32 s25, $0xF8;
	[tilespmem:s24+$0x120] =	vst v6;
	v1 =	vmul.f32 $8.000000000e+00, v1  }
0x3f: {  	v6 =	vld [tilespmem:s26+$0xFFFFFE20];
	[tilespmem:s24+$0x130] =	vst v0;
	v0 =	vmul.f32 $8.000000000e+00, v2  }
0x40: {  	v2 =	vld [tilespmem:s26+$0xFFFFFE30];
	[tilespmem:s24+$0x180] =	vst v1;
	v1 =	vmul.f32 $8.000000000e+00, v3  }
0x41: {  	v3 =	vld [tilespmem:s26+$0xFFFFFE80];
	v4 =	vmul.f32 $8.000000000e+00, v4;
	[tilespmem:s24+$0x190] =	vst v0  }
0x42: {  	v0 =	vld [tilespmem:s26+$0xFFFFFE90];
	v7 =	vmul.f32 $8.000000000e+00, v7;
	[tilespmem:s24+$0x1A0] =	vst v1  }
0x43: {  	v1 =	vmul.f32 $8.000000000e+00, v5;
	v5 =	vld [tilespmem:s26+$0xFFFFFEA0];
	[tilespmem:s24+$0xFFFFFE00] =	vst v4;
	s24 =	smov.u32 s26  }
0x44: {  	v4 =	vmul.f32 $8.000000000e+00, v6;
	v6 =	vld [tilespmem:s26+$0xFFFFFEB0];
	[tilespmem:s26+$0x1B0] =	vst v7  }
0x45: {  	[tilespmem:s26+$0xFFFFFE10] =	vst v1;
	v1 =	vmul.f32 $8.000000000e+00, v2;
	v2 =	vld [tilespmem:s26+$0xFFFFFF00]  }
0x46: {  	[tilespmem:s26+$0xFFFFFE20] =	vst v4;
	v3 =	vmul.f32 $8.000000000e+00, v3;
	v4 =	vld [tilespmem:s26+$0xFFFFFF10]  }
0x47: {  	[tilespmem:s26+$0xFFFFFE30] =	vst v1;
	v0 =	vmul.f32 $8.000000000e+00, v0;
	v1 =	vld [tilespmem:s26+$0xFFFFFF20]  }
0x48: {  	[tilespmem:s26+$0xFFFFFE80] =	vst v3;
	v3 =	vmul.f32 $8.000000000e+00, v5;
	v5 =	vld [tilespmem:s26+$0xFFFFFF30]  }
0x49: {  	[tilespmem:s26+$0xFFFFFE90] =	vst v0;
	v0 =	vmul.f32 $8.000000000e+00, v6;
	v6 =	vld [tilespmem:s26+$0xFFFFFF80]  }
0x4a: {  	[tilespmem:s26+$0xFFFFFEA0] =	vst v3;
	v2 =	vmul.f32 $8.000000000e+00, v2;
	v3 =	vld [tilespmem:s26+$0xFFFFFF90]  }
0x4b: {  	[tilespmem:s26+$0xFFFFFEB0] =	vst v0;
	v0 =	vmul.f32 $8.000000000e+00, v4;
	v4 =	vld [tilespmem:s26+$0xFFFFFFA0]  }
0x4c: {  	[tilespmem:s26+$0xFFFFFF00] =	vst v2;
	v1 =	vmul.f32 $8.000000000e+00, v1;
	v2 =	vld [tilespmem:s26+$0xFFFFFFB0]  }
0x4d: {  	[tilespmem:s26+$0xFFFFFF10] =	vst v0;
	v0 =	vmul.f32 $8.000000000e+00, v5;
	v5 =	vld [tilespmem:s26+$0x0]  }
0x4e: {  	[tilespmem:s26+$0xFFFFFF20] =	vst v1;
	v1 =	vmul.f32 $8.000000000e+00, v6;
	v6 =	vld [tilespmem:s26+$0x10]  }
0x4f: {  	[tilespmem:s26+$0xFFFFFF30] =	vst v0;
	v0 =	vmul.f32 $8.000000000e+00, v3;
	v3 =	vld [tilespmem:s26+$0x20]  }
0x50: {  	[tilespmem:s26+$0xFFFFFF80] =	vst v1;
	v1 =	vmul.f32 $8.000000000e+00, v4;
	v4 =	vld [tilespmem:s26+$0x30]  }
0x51: {  	[tilespmem:s26+$0xFFFFFF90] =	vst v0;
	v0 =	vmul.f32 $8.000000000e+00, v2;
	v2 =	vld [tilespmem:s26+$0x80]  }
0x52: {  	[tilespmem:s26+$0xFFFFFFA0] =	vst v1;
	v1 =	vmul.f32 $8.000000000e+00, v5;
	v5 =	vld [tilespmem:s26+$0x90]  }
0x53: {  	[tilespmem:s26+$0xFFFFFFB0] =	vst v0;
	v0 =	vmul.f32 $8.000000000e+00, v6;
	v6 =	vld [tilespmem:s26+$0xA0]  }
0x54: {  	[tilespmem:s26+$0x0] =	vst v1;
	v1 =	vmul.f32 $8.000000000e+00, v3;
	v3 =	vld [tilespmem:s26+$0xB0]  }
0x55: {  	[tilespmem:s26+$0x10] =	vst v0;
	v0 =	vmul.f32 $8.000000000e+00, v4;
	v4 =	vld [tilespmem:s26+$0x100]  }
0x56: {  	[tilespmem:s26+$0x20] =	vst v1;
	v1 =	vmul.f32 $8.000000000e+00, v2;
	v7 =	vld [tilespmem:s26+$0x110]  }
0x57: {  	[tilespmem:s26+$0x30] =	vst v0;
	v2 =	vmul.f32 $8.000000000e+00, v5;
	v8 =	vld [tilespmem:s26+$0x120]  }
.Ltmp0:
0x58: {  	[tilespmem:s26+$0x80] =	vst v1;
	v5 =	vmul.f32 $8.000000000e+00, v6;
	v0 =	vld [tilespmem:s26+$0x130];
	(pc) =	sbr.rel @p0 .LBB2_2-.Ltmp0, $4  }
0x59: {  	[tilespmem:s26+$0x90] =	vst v2;
	v3 =	vmul.f32 $8.000000000e+00, v3;
	v1 =	vld [tilespmem:s26+$0x180]  }
0x5a: {  	[tilespmem:s26+$0xA0] =	vst v5;
	v6 =	vmul.f32 $8.000000000e+00, v4;
	v2 =	vld [tilespmem:s26+$0x190]  }
0x5b: {  	[tilespmem:s26+$0xB0] =	vst v3;
	v5 =	vmul.f32 $8.000000000e+00, v7;
	v3 =	vld [tilespmem:s26+$0x1A0]  }
0x5c: {  	s26 =	sadd.s32 $0x400, s26;
	v4 =	vld [tilespmem:s24+$0xFFFFFE00];
	[tilespmem:s24+$0x100] =	vst v6;
	v6 =	vmul.f32 $8.000000000e+00, v8  }
0x5d: {  	[tilespmem:s24+$0x110] =	vst v5;
	v0 =	vmul.f32 $8.000000000e+00, v0  }
0x5e: {  	[tilespmem:s24+$0x120] =	vst v6;
	v1 =	vmul.f32 $8.000000000e+00, v1  }
0x5f: {  	[tilespmem:s24+$0x130] =	vst v0;
	v61 =	vmul.f32 $8.000000000e+00, v2  }
0x60: {  	[tilespmem:s24+$0x180] =	vst v1;
	v62 =	vmul.f32 $8.000000000e+00, v3  }
0x61: {  	v63 =	vmul.f32 $8.000000000e+00, v4;
	[tilespmem:s24+$0x190] =	vst v61  }
0x62: {  	[tilespmem:s24+$0x1A0] =	vst v62  }
0x63: {  	[tilespmem:s24+$0xFFFFFE00] =	vst v63;
	s24 =	simm.s32 $0x0  }
0x64: {  	[hbm4b:s7+s24] =	stream.linear.scatter [tilespmem:s13], [sflag:$0x3], $0x8000, $0x38;
	[tilespmem:$0x16400] =	vst v63  }
.LBB2_4:
0x65: {  	s28 =	sshll.u32 s24, $0x2  }
0x66: {  	_ =	swait.ge [sflag:s20], $0x8000;
	s25 =	sadd.s32 $0x4, s28  }
0x67: {  	[sflag:s20] =	ssyncset.done $0x0;
	s26 =	sshll.u32 s25, $0x7  }
0x68: {  	[sflag:s20] =	ssyncadd.s32 $0xFFFF8000;
	s26 =	sand.u32 $0x3FFFFE00, s26  }
0x69: {  	[tilespmem:s13], [sflag:$0x1] =	stream.indirect.gather [hbm4b:s4+s12], $0x80, s26, s12, $0xb8;
	[tilespmem:$0x16400] =	vst v63  }
0x6a: {  	s26 =	sshll.u32 s24, $0x9  }
0x6b: {  	s26 =	sand.u32 $0x3FFFFE00, s26  }
0x6c: {  	s29 =	sadd.s32 $0x280, s26  }
0x6d: {  	[tilespmem:s14], [sflag:$0x1] =	stream.indirect.gather [hbm4b:s4+s12], $0x80, s29, s12, $0xb8;
	[tilespmem:$0x16400] =	vst v63  }
0x6e: {  	_ =	swait.ge [sflag:s21], $0x8000  }
0x6f: {  	[sflag:s21] =	ssyncset.done $0x0  }
0x70: {  	s29 =	simm.s32 $0xE600;
	[sflag:s21] =	ssyncadd.s32 $0xFFFF8000  }
0x71: {  	v0 =	vld [tilespmem:s29+$0x1B0]  }
0x72: {  	v1 =	vld [tilespmem:s29+$0xFFFFFE10]  }
0x73: {  	v2 =	vld [tilespmem:s29+$0xFFFFFE20]  }
0x74: {  	v3 =	vld [tilespmem:s29+$0xFFFFFE30]  }
0x75: {  	v4 =	vld [tilespmem:s29+$0xFFFFFE80]  }
0x76: {  	v5 =	vld [tilespmem:s29+$0xFFFFFE90];
	v0 =	vmul.f32 $8.000000000e+00, v0  }
0x77: {  	v6 =	vld [tilespmem:s29+$0xFFFFFEA0];
	v1 =	vmul.f32 $8.000000000e+00, v1  }
0x78: {  	v7 =	vld [tilespmem:s29+$0xFFFFFEB0];
	v2 =	vmul.f32 $8.000000000e+00, v2;
	[tilespmem:s29+$0x1B0] =	vst v0  }
0x79: {  	[tilespmem:s29+$0xFFFFFE10] =	vst v1;
	v0 =	vmul.f32 $8.000000000e+00, v3;
	v1 =	vld [tilespmem:s29+$0xFFFFFF00]  }
0x7a: {  	[tilespmem:s29+$0xFFFFFE20] =	vst v2;
	v2 =	vmul.f32 $8.000000000e+00, v4;
	v3 =	vld [tilespmem:s29+$0xFFFFFF10]  }
0x7b: {  	v4 =	vld [tilespmem:s29+$0xFFFFFF20];
	[tilespmem:s29+$0xFFFFFE30] =	vst v0;
	v0 =	vmul.f32 $8.000000000e+00, v5  }
0x7c: {  	[tilespmem:s29+$0xFFFFFE80] =	vst v2;
	v2 =	vmul.f32 $8.000000000e+00, v6;
	v5 =	vld [tilespmem:s29+$0xFFFFFF30]  }
0x7d: {  	v6 =	vld [tilespmem:s29+$0xFFFFFF80];
	[tilespmem:s29+$0xFFFFFE90] =	vst v0;
	v0 =	vmul.f32 $8.000000000e+00, v7  }
0x7e: {  	[tilespmem:s29+$0xFFFFFEA0] =	vst v2;
	v2 =	vld [tilespmem:s29+$0xFFFFFF90];
	v1 =	vmul.f32 $8.000000000e+00, v1  }
0x7f: {  	[tilespmem:s29+$0xFFFFFEB0] =	vst v0;
	v0 =	vmul.f32 $8.000000000e+00, v3;
	v3 =	vld [tilespmem:s29+$0xFFFFFFA0]  }
0x80: {  	[tilespmem:s29+$0xFFFFFF00] =	vst v1;
	v1 =	vmul.f32 $8.000000000e+00, v4;
	v4 =	vld [tilespmem:s29+$0xFFFFFFB0]  }
0x81: {  	[tilespmem:s29+$0xFFFFFF10] =	vst v0;
	v0 =	vmul.f32 $8.000000000e+00, v5;
	v5 =	vld [tilespmem:s29+$0x0]  }
0x82: {  	[tilespmem:s29+$0xFFFFFF20] =	vst v1;
	v1 =	vmul.f32 $8.000000000e+00, v6;
	v6 =	vld [tilespmem:s29+$0x10]  }
0x83: {  	[tilespmem:s29+$0xFFFFFF30] =	vst v0;
	v0 =	vmul.f32 $8.000000000e+00, v2;
	v2 =	vld [tilespmem:s29+$0x20]  }
0x84: {  	[tilespmem:s29+$0xFFFFFF80] =	vst v1;
	v1 =	vmul.f32 $8.000000000e+00, v3;
	v3 =	vld [tilespmem:s29+$0x30]  }
0x85: {  	[tilespmem:s29+$0xFFFFFF90] =	vst v0;
	v0 =	vmul.f32 $8.000000000e+00, v4;
	v4 =	vld [tilespmem:s29+$0x80]  }
0x86: {  	[tilespmem:s29+$0xFFFFFFA0] =	vst v1;
	v1 =	vmul.f32 $8.000000000e+00, v5;
	v5 =	vld [tilespmem:s29+$0x90]  }
0x87: {  	[tilespmem:s29+$0xFFFFFFB0] =	vst v0;
	v0 =	vmul.f32 $8.000000000e+00, v6;
	v6 =	vld [tilespmem:s29+$0xA0]  }
0x88: {  	[tilespmem:s29+$0x0] =	vst v1;
	v1 =	vmul.f32 $8.000000000e+00, v2;
	v2 =	vld [tilespmem:s29+$0xB0]  }
0x89: {  	[tilespmem:s29+$0x10] =	vst v0;
	v0 =	vmul.f32 $8.000000000e+00, v3;
	v3 =	vld [tilespmem:s29+$0x100]  }
0x8a: {  	[tilespmem:s29+$0x20] =	vst v1;
	v1 =	vmul.f32 $8.000000000e+00, v4;
	v4 =	vld [tilespmem:s29+$0x110]  }
0x8b: {  	v7 =	vld [tilespmem:s29+$0x120];
	[tilespmem:s29+$0x30] =	vst v0;
	v5 =	vmul.f32 $8.000000000e+00, v5  }
0x8c: {  	v0 =	vld [tilespmem:s29+$0x130];
	[tilespmem:s29+$0x80] =	vst v1;
	v6 =	vmul.f32 $8.000000000e+00, v6  }
0x8d: {  	v1 =	vld [tilespmem:s29+$0x180];
	[tilespmem:s29+$0x90] =	vst v5;
	v5 =	vmul.f32 $8.000000000e+00, v2  }
0x8e: {  	v2 =	vld [tilespmem:s29+$0x190];
	[tilespmem:s29+$0xA0] =	vst v6;
	v6 =	vmul.f32 $8.000000000e+00, v3  }
0x8f: {  	v3 =	vld [tilespmem:s29+$0x1A0];
	[tilespmem:s29+$0xB0] =	vst v5;
	v5 =	vmul.f32 $8.000000000e+00, v4  }
0x90: {  	s30 =	simm.s32 $0x0;
	s31 =	simm.s32 $0xEA00;
	v4 =	vld [tilespmem:s29+$0xFFFFFE00];
	[tilespmem:s29+$0x100] =	vst v6;
	v6 =	vmul.f32 $8.000000000e+00, v7  }
.LBB2_5:
0x91: {  	v7 =	vld [tilespmem:s31+$0x1B0];
	s30 =	sadd.s32 $0x8, s30;
	[tilespmem:s29+$0x110] =	vst v5;
	v0 =	vmul.f32 $8.000000000e+00, v0  }
0x92: {  	v5 =	vld [tilespmem:s31+$0xFFFFFE10];
	p0 =	slt.u32 s30, $0xF8;
	[tilespmem:s29+$0x120] =	vst v6;
	v1 =	vmul.f32 $8.000000000e+00, v1  }
0x93: {  	v6 =	vld [tilespmem:s31+$0xFFFFFE20];
	[tilespmem:s29+$0x130] =	vst v0;
	v0 =	vmul.f32 $8.000000000e+00, v2  }
0x94: {  	v2 =	vld [tilespmem:s31+$0xFFFFFE30];
	[tilespmem:s29+$0x180] =	vst v1;
	v1 =	vmul.f32 $8.000000000e+00, v3  }
0x95: {  	v3 =	vld [tilespmem:s31+$0xFFFFFE80];
	v4 =	vmul.f32 $8.000000000e+00, v4;
	[tilespmem:s29+$0x190] =	vst v0  }
0x96: {  	v0 =	vld [tilespmem:s31+$0xFFFFFE90];
	v7 =	vmul.f32 $8.000000000e+00, v7;
	[tilespmem:s29+$0x1A0] =	vst v1  }
0x97: {  	v1 =	vmul.f32 $8.000000000e+00, v5;
	v5 =	vld [tilespmem:s31+$0xFFFFFEA0];
	[tilespmem:s29+$0xFFFFFE00] =	vst v4;
	s29 =	smov.u32 s31  }
0x98: {  	v4 =	vmul.f32 $8.000000000e+00, v6;
	v6 =	vld [tilespmem:s31+$0xFFFFFEB0];
	[tilespmem:s31+$0x1B0] =	vst v7  }
0x99: {  	[tilespmem:s31+$0xFFFFFE10] =	vst v1;
	v1 =	vmul.f32 $8.000000000e+00, v2;
	v2 =	vld [tilespmem:s31+$0xFFFFFF00]  }
0x9a: {  	[tilespmem:s31+$0xFFFFFE20] =	vst v4;
	v3 =	vmul.f32 $8.000000000e+00, v3;
	v4 =	vld [tilespmem:s31+$0xFFFFFF10]  }
0x9b: {  	[tilespmem:s31+$0xFFFFFE30] =	vst v1;
	v0 =	vmul.f32 $8.000000000e+00, v0;
	v1 =	vld [tilespmem:s31+$0xFFFFFF20]  }
0x9c: {  	[tilespmem:s31+$0xFFFFFE80] =	vst v3;
	v3 =	vmul.f32 $8.000000000e+00, v5;
	v5 =	vld [tilespmem:s31+$0xFFFFFF30]  }
0x9d: {  	[tilespmem:s31+$0xFFFFFE90] =	vst v0;
	v0 =	vmul.f32 $8.000000000e+00, v6;
	v6 =	vld [tilespmem:s31+$0xFFFFFF80]  }
0x9e: {  	[tilespmem:s31+$0xFFFFFEA0] =	vst v3;
	v2 =	vmul.f32 $8.000000000e+00, v2;
	v3 =	vld [tilespmem:s31+$0xFFFFFF90]  }
0x9f: {  	[tilespmem:s31+$0xFFFFFEB0] =	vst v0;
	v0 =	vmul.f32 $8.000000000e+00, v4;
	v4 =	vld [tilespmem:s31+$0xFFFFFFA0]  }
0xa0: {  	[tilespmem:s31+$0xFFFFFF00] =	vst v2;
	v1 =	vmul.f32 $8.000000000e+00, v1;
	v2 =	vld [tilespmem:s31+$0xFFFFFFB0]  }
0xa1: {  	[tilespmem:s31+$0xFFFFFF10] =	vst v0;
	v0 =	vmul.f32 $8.000000000e+00, v5;
	v5 =	vld [tilespmem:s31+$0x0]  }
0xa2: {  	[tilespmem:s31+$0xFFFFFF20] =	vst v1;
	v1 =	vmul.f32 $8.000000000e+00, v6;
	v6 =	vld [tilespmem:s31+$0x10]  }
0xa3: {  	[tilespmem:s31+$0xFFFFFF30] =	vst v0;
	v0 =	vmul.f32 $8.000000000e+00, v3;
	v3 =	vld [tilespmem:s31+$0x20]  }
0xa4: {  	[tilespmem:s31+$0xFFFFFF80] =	vst v1;
	v1 =	vmul.f32 $8.000000000e+00, v4;
	v4 =	vld [tilespmem:s31+$0x30]  }
0xa5: {  	[tilespmem:s31+$0xFFFFFF90] =	vst v0;
	v0 =	vmul.f32 $8.000000000e+00, v2;
	v2 =	vld [tilespmem:s31+$0x80]  }
0xa6: {  	[tilespmem:s31+$0xFFFFFFA0] =	vst v1;
	v1 =	vmul.f32 $8.000000000e+00, v5;
	v5 =	vld [tilespmem:s31+$0x90]  }
0xa7: {  	[tilespmem:s31+$0xFFFFFFB0] =	vst v0;
	v0 =	vmul.f32 $8.000000000e+00, v6;
	v6 =	vld [tilespmem:s31+$0xA0]  }
0xa8: {  	[tilespmem:s31+$0x0] =	vst v1;
	v1 =	vmul.f32 $8.000000000e+00, v3;
	v3 =	vld [tilespmem:s31+$0xB0]  }
0xa9: {  	[tilespmem:s31+$0x10] =	vst v0;
	v0 =	vmul.f32 $8.000000000e+00, v4;
	v4 =	vld [tilespmem:s31+$0x100]  }
0xaa: {  	[tilespmem:s31+$0x20] =	vst v1;
	v1 =	vmul.f32 $8.000000000e+00, v2;
	v7 =	vld [tilespmem:s31+$0x110]  }
0xab: {  	[tilespmem:s31+$0x30] =	vst v0;
	v2 =	vmul.f32 $8.000000000e+00, v5;
	v8 =	vld [tilespmem:s31+$0x120]  }
.Ltmp1:
0xac: {  	[tilespmem:s31+$0x80] =	vst v1;
	v5 =	vmul.f32 $8.000000000e+00, v6;
	v0 =	vld [tilespmem:s31+$0x130];
	(pc) =	sbr.rel @p0 .LBB2_5-.Ltmp1, $4  }
0xad: {  	[tilespmem:s31+$0x90] =	vst v2;
	v3 =	vmul.f32 $8.000000000e+00, v3;
	v1 =	vld [tilespmem:s31+$0x180]  }
0xae: {  	[tilespmem:s31+$0xA0] =	vst v5;
	v6 =	vmul.f32 $8.000000000e+00, v4;
	v2 =	vld [tilespmem:s31+$0x190]  }
0xaf: {  	[tilespmem:s31+$0xB0] =	vst v3;
	v5 =	vmul.f32 $8.000000000e+00, v7;
	v3 =	vld [tilespmem:s31+$0x1A0]  }
0xb0: {  	s31 =	sadd.s32 $0x400, s31;
	v4 =	vld [tilespmem:s29+$0xFFFFFE00];
	[tilespmem:s29+$0x100] =	vst v6;
	v6 =	vmul.f32 $8.000000000e+00, v8  }
0xb1: {  	[tilespmem:s29+$0x110] =	vst v5;
	v0 =	vmul.f32 $8.000000000e+00, v0  }
0xb2: {  	[tilespmem:s29+$0x120] =	vst v6;
	v1 =	vmul.f32 $8.000000000e+00, v1  }
0xb3: {  	[tilespmem:s29+$0x130] =	vst v0;
	v0 =	vmul.f32 $8.000000000e+00, v2  }
0xb4: {  	s28 =	sadd.s32 s28, s8;
	[tilespmem:s29+$0x180] =	vst v1;
	v1 =	vmul.f32 $8.000000000e+00, v3  }
0xb5: {  	s28 =	sshll.u32 s28, $0xB;
	v2 =	vmul.f32 $8.000000000e+00, v4;
	[tilespmem:s29+$0x190] =	vst v0  }
0xb6: {  	s28 =	sand.u32 $0x1FFFF000, s28;
	[tilespmem:s29+$0x1A0] =	vst v1  }
0xb7: {  	s28 =	sadd.s32 s5, s28;
	[tilespmem:s29+$0xFFFFFE00] =	vst v2  }
0xb8: {  	[hbm4b:s28+s2] =	stream.linear.scatter [tilespmem:s16], [sflag:$0x4], $0x8000, $0x38;
	[tilespmem:$0x16400] =	vst v63  }
0xb9: {  	_ =	swait.ge [sflag:s22], $0x8000  }
0xba: {  	[sflag:s22] =	ssyncset.done $0x0  }
0xbb: {  	s28 =	sadd.s32 $0x300, s26;
	[sflag:s22] =	ssyncadd.s32 $0xFFFF8000  }
0xbc: {  	[tilespmem:s16], [sflag:$0x2] =	stream.indirect.gather [hbm4b:s4+s12], $0x80, s28, s12, $0xb8;
	[tilespmem:$0x16400] =	vst v63  }
0xbd: {  	s31 =	sadd.s32 $0x380, s26  }
0xbe: {  	[tilespmem:s18], [sflag:$0x2] =	stream.indirect.gather [hbm4b:s4+s12], $0x80, s31, s12, $0xb8;
	[tilespmem:$0x16400] =	vst v63  }
0xbf: {  	_ =	swait.ge [sflag:s19], $0x8000  }
0xc0: {  	[sflag:s19] =	ssyncset.done $0x0  }
0xc1: {  	s26 =	simm.s32 $0x6600;
	[sflag:s19] =	ssyncadd.s32 $0xFFFF8000  }
0xc2: {  	v0 =	vld [tilespmem:s26+$0x1B0]  }
0xc3: {  	v1 =	vld [tilespmem:s26+$0xFFFFFE10]  }
0xc4: {  	v2 =	vld [tilespmem:s26+$0xFFFFFE20]  }
0xc5: {  	v3 =	vld [tilespmem:s26+$0xFFFFFE30]  }
0xc6: {  	v4 =	vld [tilespmem:s26+$0xFFFFFE80]  }
0xc7: {  	v5 =	vld [tilespmem:s26+$0xFFFFFE90];
	v0 =	vmul.f32 $8.000000000e+00, v0  }
0xc8: {  	v6 =	vld [tilespmem:s26+$0xFFFFFEA0];
	v1 =	vmul.f32 $8.000000000e+00, v1  }
0xc9: {  	v7 =	vld [tilespmem:s26+$0xFFFFFEB0];
	v2 =	vmul.f32 $8.000000000e+00, v2;
	[tilespmem:s26+$0x1B0] =	vst v0  }
0xca: {  	[tilespmem:s26+$0xFFFFFE10] =	vst v1;
	v0 =	vmul.f32 $8.000000000e+00, v3;
	v1 =	vld [tilespmem:s26+$0xFFFFFF00]  }
0xcb: {  	[tilespmem:s26+$0xFFFFFE20] =	vst v2;
	v2 =	vmul.f32 $8.000000000e+00, v4;
	v3 =	vld [tilespmem:s26+$0xFFFFFF10]  }
0xcc: {  	v4 =	vld [tilespmem:s26+$0xFFFFFF20];
	[tilespmem:s26+$0xFFFFFE30] =	vst v0;
	v0 =	vmul.f32 $8.000000000e+00, v5  }
0xcd: {  	[tilespmem:s26+$0xFFFFFE80] =	vst v2;
	v2 =	vmul.f32 $8.000000000e+00, v6;
	v5 =	vld [tilespmem:s26+$0xFFFFFF30]  }
0xce: {  	v6 =	vld [tilespmem:s26+$0xFFFFFF80];
	[tilespmem:s26+$0xFFFFFE90] =	vst v0;
	v0 =	vmul.f32 $8.000000000e+00, v7  }
0xcf: {  	[tilespmem:s26+$0xFFFFFEA0] =	vst v2;
	v2 =	vld [tilespmem:s26+$0xFFFFFF90];
	v1 =	vmul.f32 $8.000000000e+00, v1  }
0xd0: {  	[tilespmem:s26+$0xFFFFFEB0] =	vst v0;
	v0 =	vmul.f32 $8.000000000e+00, v3;
	v3 =	vld [tilespmem:s26+$0xFFFFFFA0]  }
0xd1: {  	[tilespmem:s26+$0xFFFFFF00] =	vst v1;
	v1 =	vmul.f32 $8.000000000e+00, v4;
	v4 =	vld [tilespmem:s26+$0xFFFFFFB0]  }
0xd2: {  	[tilespmem:s26+$0xFFFFFF10] =	vst v0;
	v0 =	vmul.f32 $8.000000000e+00, v5;
	v5 =	vld [tilespmem:s26+$0x0]  }
0xd3: {  	[tilespmem:s26+$0xFFFFFF20] =	vst v1;
	v1 =	vmul.f32 $8.000000000e+00, v6;
	v6 =	vld [tilespmem:s26+$0x10]  }
0xd4: {  	[tilespmem:s26+$0xFFFFFF30] =	vst v0;
	v0 =	vmul.f32 $8.000000000e+00, v2;
	v2 =	vld [tilespmem:s26+$0x20]  }
0xd5: {  	[tilespmem:s26+$0xFFFFFF80] =	vst v1;
	v1 =	vmul.f32 $8.000000000e+00, v3;
	v3 =	vld [tilespmem:s26+$0x30]  }
0xd6: {  	[tilespmem:s26+$0xFFFFFF90] =	vst v0;
	v0 =	vmul.f32 $8.000000000e+00, v4;
	v4 =	vld [tilespmem:s26+$0x80]  }
0xd7: {  	[tilespmem:s26+$0xFFFFFFA0] =	vst v1;
	v1 =	vmul.f32 $8.000000000e+00, v5;
	v5 =	vld [tilespmem:s26+$0x90]  }
0xd8: {  	[tilespmem:s26+$0xFFFFFFB0] =	vst v0;
	v0 =	vmul.f32 $8.000000000e+00, v6;
	v6 =	vld [tilespmem:s26+$0xA0]  }
0xd9: {  	[tilespmem:s26+$0x0] =	vst v1;
	v1 =	vmul.f32 $8.000000000e+00, v2;
	v2 =	vld [tilespmem:s26+$0xB0]  }
0xda: {  	[tilespmem:s26+$0x10] =	vst v0;
	v0 =	vmul.f32 $8.000000000e+00, v3;
	v3 =	vld [tilespmem:s26+$0x100]  }
0xdb: {  	[tilespmem:s26+$0x20] =	vst v1;
	v1 =	vmul.f32 $8.000000000e+00, v4;
	v4 =	vld [tilespmem:s26+$0x110]  }
0xdc: {  	v7 =	vld [tilespmem:s26+$0x120];
	[tilespmem:s26+$0x30] =	vst v0;
	v5 =	vmul.f32 $8.000000000e+00, v5  }
0xdd: {  	v0 =	vld [tilespmem:s26+$0x130];
	[tilespmem:s26+$0x80] =	vst v1;
	v6 =	vmul.f32 $8.000000000e+00, v6  }
0xde: {  	v1 =	vld [tilespmem:s26+$0x180];
	[tilespmem:s26+$0x90] =	vst v5;
	v5 =	vmul.f32 $8.000000000e+00, v2  }
0xdf: {  	v2 =	vld [tilespmem:s26+$0x190];
	[tilespmem:s26+$0xA0] =	vst v6;
	v6 =	vmul.f32 $8.000000000e+00, v3  }
0xe0: {  	v3 =	vld [tilespmem:s26+$0x1A0];
	[tilespmem:s26+$0xB0] =	vst v5;
	v5 =	vmul.f32 $8.000000000e+00, v4  }
0xe1: {  	s29 =	simm.s32 $0x6A00;
	s28 =	simm.s32 $0x0;
	v4 =	vld [tilespmem:s26+$0xFFFFFE00];
	[tilespmem:s26+$0x100] =	vst v6;
	v6 =	vmul.f32 $8.000000000e+00, v7  }
.LBB2_7:
0xe2: {  	v7 =	vld [tilespmem:s29+$0x1B0];
	s28 =	sadd.s32 $0x8, s28;
	[tilespmem:s26+$0x110] =	vst v5;
	v0 =	vmul.f32 $8.000000000e+00, v0  }
0xe3: {  	v5 =	vld [tilespmem:s29+$0xFFFFFE10];
	p0 =	slt.u32 s28, $0xF8;
	[tilespmem:s26+$0x120] =	vst v6;
	v1 =	vmul.f32 $8.000000000e+00, v1  }
0xe4: {  	v6 =	vld [tilespmem:s29+$0xFFFFFE20];
	[tilespmem:s26+$0x130] =	vst v0;
	v0 =	vmul.f32 $8.000000000e+00, v2  }
0xe5: {  	v2 =	vld [tilespmem:s29+$0xFFFFFE30];
	[tilespmem:s26+$0x180] =	vst v1;
	v1 =	vmul.f32 $8.000000000e+00, v3  }
0xe6: {  	v3 =	vld [tilespmem:s29+$0xFFFFFE80];
	v4 =	vmul.f32 $8.000000000e+00, v4;
	[tilespmem:s26+$0x190] =	vst v0  }
0xe7: {  	v0 =	vld [tilespmem:s29+$0xFFFFFE90];
	v7 =	vmul.f32 $8.000000000e+00, v7;
	[tilespmem:s26+$0x1A0] =	vst v1  }
0xe8: {  	v1 =	vmul.f32 $8.000000000e+00, v5;
	v5 =	vld [tilespmem:s29+$0xFFFFFEA0];
	[tilespmem:s26+$0xFFFFFE00] =	vst v4;
	s26 =	smov.u32 s29  }
0xe9: {  	v4 =	vmul.f32 $8.000000000e+00, v6;
	v6 =	vld [tilespmem:s29+$0xFFFFFEB0];
	[tilespmem:s29+$0x1B0] =	vst v7  }
0xea: {  	[tilespmem:s29+$0xFFFFFE10] =	vst v1;
	v1 =	vmul.f32 $8.000000000e+00, v2;
	v2 =	vld [tilespmem:s29+$0xFFFFFF00]  }
0xeb: {  	[tilespmem:s29+$0xFFFFFE20] =	vst v4;
	v3 =	vmul.f32 $8.000000000e+00, v3;
	v4 =	vld [tilespmem:s29+$0xFFFFFF10]  }
0xec: {  	[tilespmem:s29+$0xFFFFFE30] =	vst v1;
	v0 =	vmul.f32 $8.000000000e+00, v0;
	v1 =	vld [tilespmem:s29+$0xFFFFFF20]  }
0xed: {  	[tilespmem:s29+$0xFFFFFE80] =	vst v3;
	v3 =	vmul.f32 $8.000000000e+00, v5;
	v5 =	vld [tilespmem:s29+$0xFFFFFF30]  }
0xee: {  	[tilespmem:s29+$0xFFFFFE90] =	vst v0;
	v0 =	vmul.f32 $8.000000000e+00, v6;
	v6 =	vld [tilespmem:s29+$0xFFFFFF80]  }
0xef: {  	[tilespmem:s29+$0xFFFFFEA0] =	vst v3;
	v2 =	vmul.f32 $8.000000000e+00, v2;
	v3 =	vld [tilespmem:s29+$0xFFFFFF90]  }
0xf0: {  	[tilespmem:s29+$0xFFFFFEB0] =	vst v0;
	v0 =	vmul.f32 $8.000000000e+00, v4;
	v4 =	vld [tilespmem:s29+$0xFFFFFFA0]  }
0xf1: {  	[tilespmem:s29+$0xFFFFFF00] =	vst v2;
	v1 =	vmul.f32 $8.000000000e+00, v1;
	v2 =	vld [tilespmem:s29+$0xFFFFFFB0]  }
0xf2: {  	[tilespmem:s29+$0xFFFFFF10] =	vst v0;
	v0 =	vmul.f32 $8.000000000e+00, v5;
	v5 =	vld [tilespmem:s29+$0x0]  }
0xf3: {  	[tilespmem:s29+$0xFFFFFF20] =	vst v1;
	v1 =	vmul.f32 $8.000000000e+00, v6;
	v6 =	vld [tilespmem:s29+$0x10]  }
0xf4: {  	[tilespmem:s29+$0xFFFFFF30] =	vst v0;
	v0 =	vmul.f32 $8.000000000e+00, v3;
	v3 =	vld [tilespmem:s29+$0x20]  }
0xf5: {  	[tilespmem:s29+$0xFFFFFF80] =	vst v1;
	v1 =	vmul.f32 $8.000000000e+00, v4;
	v4 =	vld [tilespmem:s29+$0x30]  }
0xf6: {  	[tilespmem:s29+$0xFFFFFF90] =	vst v0;
	v0 =	vmul.f32 $8.000000000e+00, v2;
	v2 =	vld [tilespmem:s29+$0x80]  }
0xf7: {  	[tilespmem:s29+$0xFFFFFFA0] =	vst v1;
	v1 =	vmul.f32 $8.000000000e+00, v5;
	v5 =	vld [tilespmem:s29+$0x90]  }
0xf8: {  	[tilespmem:s29+$0xFFFFFFB0] =	vst v0;
	v0 =	vmul.f32 $8.000000000e+00, v6;
	v6 =	vld [tilespmem:s29+$0xA0]  }
0xf9: {  	[tilespmem:s29+$0x0] =	vst v1;
	v1 =	vmul.f32 $8.000000000e+00, v3;
	v3 =	vld [tilespmem:s29+$0xB0]  }
0xfa: {  	[tilespmem:s29+$0x10] =	vst v0;
	v0 =	vmul.f32 $8.000000000e+00, v4;
	v4 =	vld [tilespmem:s29+$0x100]  }
0xfb: {  	[tilespmem:s29+$0x20] =	vst v1;
	v1 =	vmul.f32 $8.000000000e+00, v2;
	v7 =	vld [tilespmem:s29+$0x110]  }
0xfc: {  	[tilespmem:s29+$0x30] =	vst v0;
	v2 =	vmul.f32 $8.000000000e+00, v5;
	v8 =	vld [tilespmem:s29+$0x120]  }
.Ltmp2:
0xfd: {  	[tilespmem:s29+$0x80] =	vst v1;
	v5 =	vmul.f32 $8.000000000e+00, v6;
	v0 =	vld [tilespmem:s29+$0x130];
	(pc) =	sbr.rel @p0 .LBB2_7-.Ltmp2, $4  }
0xfe: {  	[tilespmem:s29+$0x90] =	vst v2;
	v3 =	vmul.f32 $8.000000000e+00, v3;
	v1 =	vld [tilespmem:s29+$0x180]  }
0xff: {  	[tilespmem:s29+$0xA0] =	vst v5;
	v6 =	vmul.f32 $8.000000000e+00, v4;
	v2 =	vld [tilespmem:s29+$0x190]  }
0x100: {  	[tilespmem:s29+$0xB0] =	vst v3;
	v5 =	vmul.f32 $8.000000000e+00, v7;
	v3 =	vld [tilespmem:s29+$0x1A0]  }
0x101: {  	s29 =	sadd.s32 $0x400, s29;
	v4 =	vld [tilespmem:s26+$0xFFFFFE00];
	[tilespmem:s26+$0x100] =	vst v6;
	v6 =	vmul.f32 $8.000000000e+00, v8  }
0x102: {  	[tilespmem:s26+$0x110] =	vst v5;
	v0 =	vmul.f32 $8.000000000e+00, v0  }
0x103: {  	s24 =	sadd.s32 $0x1, s24;
	[tilespmem:s26+$0x120] =	vst v6;
	v1 =	vmul.f32 $8.000000000e+00, v1  }
0x104: {  	p0 =	sne.s32 s24, $0x31;
	[tilespmem:s26+$0x130] =	vst v0;
	v61 =	vmul.f32 $8.000000000e+00, v2  }
.Ltmp3:
0x105: {  	s25 =	sadd.s32 s3, s25;
	[tilespmem:s26+$0x180] =	vst v1;
	v62 =	vmul.f32 $8.000000000e+00, v3;
	(pc) =	sbr.rel @p0 .LBB2_4-.Ltmp3, $4  }
0x106: {  	s25 =	sshll.u32 s25, $0xB;
	v63 =	vmul.f32 $8.000000000e+00, v4;
	[tilespmem:s26+$0x190] =	vst v61  }
0x107: {  	s25 =	sand.u32 $0x1FFFE000, s25;
	[tilespmem:s26+$0x1A0] =	vst v62  }
0x108: {  	s25 =	sadd.s32 s5, s25;
	[tilespmem:s26+$0xFFFFFE00] =	vst v63  }
0x109: {  	[hbm4b:s25+s2] =	stream.linear.scatter [tilespmem:s13], [sflag:$0x3], $0x8000, $0x38;
	[tilespmem:$0x16400] =	vst v63  }
0x10a: {  	_ =	swait.ge [sflag:s21], $0x8000  }
0x10b: {  	[sflag:s21] =	ssyncset.done $0x0  }
0x10c: {  	s24 =	simm.s32 $0xE600;
	[sflag:s21] =	ssyncadd.s32 $0xFFFF8000  }
0x10d: {  	v0 =	vld [tilespmem:s24+$0x1B0]  }
0x10e: {  	v1 =	vld [tilespmem:s24+$0xFFFFFE10]  }
0x10f: {  	v2 =	vld [tilespmem:s24+$0xFFFFFE20]  }
0x110: {  	v3 =	vld [tilespmem:s24+$0xFFFFFE30]  }
0x111: {  	v4 =	vld [tilespmem:s24+$0xFFFFFE80]  }
0x112: {  	v5 =	vld [tilespmem:s24+$0xFFFFFE90];
	v0 =	vmul.f32 $8.000000000e+00, v0  }
0x113: {  	v6 =	vld [tilespmem:s24+$0xFFFFFEA0];
	v1 =	vmul.f32 $8.000000000e+00, v1  }
0x114: {  	v7 =	vld [tilespmem:s24+$0xFFFFFEB0];
	v2 =	vmul.f32 $8.000000000e+00, v2;
	[tilespmem:s24+$0x1B0] =	vst v0  }
0x115: {  	[tilespmem:s24+$0xFFFFFE10] =	vst v1;
	v0 =	vmul.f32 $8.000000000e+00, v3;
	v1 =	vld [tilespmem:s24+$0xFFFFFF00]  }
0x116: {  	[tilespmem:s24+$0xFFFFFE20] =	vst v2;
	v2 =	vmul.f32 $8.000000000e+00, v4;
	v3 =	vld [tilespmem:s24+$0xFFFFFF10]  }
0x117: {  	v4 =	vld [tilespmem:s24+$0xFFFFFF20];
	[tilespmem:s24+$0xFFFFFE30] =	vst v0;
	v0 =	vmul.f32 $8.000000000e+00, v5  }
0x118: {  	[tilespmem:s24+$0xFFFFFE80] =	vst v2;
	v2 =	vmul.f32 $8.000000000e+00, v6;
	v5 =	vld [tilespmem:s24+$0xFFFFFF30]  }
0x119: {  	v6 =	vld [tilespmem:s24+$0xFFFFFF80];
	[tilespmem:s24+$0xFFFFFE90] =	vst v0;
	v0 =	vmul.f32 $8.000000000e+00, v7  }
0x11a: {  	[tilespmem:s24+$0xFFFFFEA0] =	vst v2;
	v2 =	vld [tilespmem:s24+$0xFFFFFF90];
	v1 =	vmul.f32 $8.000000000e+00, v1  }
0x11b: {  	[tilespmem:s24+$0xFFFFFEB0] =	vst v0;
	v0 =	vmul.f32 $8.000000000e+00, v3;
	v3 =	vld [tilespmem:s24+$0xFFFFFFA0]  }
0x11c: {  	[tilespmem:s24+$0xFFFFFF00] =	vst v1;
	v1 =	vmul.f32 $8.000000000e+00, v4;
	v4 =	vld [tilespmem:s24+$0xFFFFFFB0]  }
0x11d: {  	[tilespmem:s24+$0xFFFFFF10] =	vst v0;
	v0 =	vmul.f32 $8.000000000e+00, v5;
	v5 =	vld [tilespmem:s24+$0x0]  }
0x11e: {  	[tilespmem:s24+$0xFFFFFF20] =	vst v1;
	v1 =	vmul.f32 $8.000000000e+00, v6;
	v6 =	vld [tilespmem:s24+$0x10]  }
0x11f: {  	[tilespmem:s24+$0xFFFFFF30] =	vst v0;
	v0 =	vmul.f32 $8.000000000e+00, v2;
	v2 =	vld [tilespmem:s24+$0x20]  }
0x120: {  	[tilespmem:s24+$0xFFFFFF80] =	vst v1;
	v1 =	vmul.f32 $8.000000000e+00, v3;
	v3 =	vld [tilespmem:s24+$0x30]  }
0x121: {  	[tilespmem:s24+$0xFFFFFF90] =	vst v0;
	v0 =	vmul.f32 $8.000000000e+00, v4;
	v4 =	vld [tilespmem:s24+$0x80]  }
0x122: {  	[tilespmem:s24+$0xFFFFFFA0] =	vst v1;
	v1 =	vmul.f32 $8.000000000e+00, v5;
	v5 =	vld [tilespmem:s24+$0x90]  }
0x123: {  	[tilespmem:s24+$0xFFFFFFB0] =	vst v0;
	v0 =	vmul.f32 $8.000000000e+00, v6;
	v6 =	vld [tilespmem:s24+$0xA0]  }
0x124: {  	[tilespmem:s24+$0x0] =	vst v1;
	v1 =	vmul.f32 $8.000000000e+00, v2;
	v2 =	vld [tilespmem:s24+$0xB0]  }
0x125: {  	[tilespmem:s24+$0x10] =	vst v0;
	v0 =	vmul.f32 $8.000000000e+00, v3;
	v3 =	vld [tilespmem:s24+$0x100]  }
0x126: {  	[tilespmem:s24+$0x20] =	vst v1;
	v1 =	vmul.f32 $8.000000000e+00, v4;
	v4 =	vld [tilespmem:s24+$0x110]  }
0x127: {  	v7 =	vld [tilespmem:s24+$0x120];
	[tilespmem:s24+$0x30] =	vst v0;
	v5 =	vmul.f32 $8.000000000e+00, v5  }
0x128: {  	v0 =	vld [tilespmem:s24+$0x130];
	[tilespmem:s24+$0x80] =	vst v1;
	v6 =	vmul.f32 $8.000000000e+00, v6  }
0x129: {  	v1 =	vld [tilespmem:s24+$0x180];
	[tilespmem:s24+$0x90] =	vst v5;
	v5 =	vmul.f32 $8.000000000e+00, v2  }
0x12a: {  	v2 =	vld [tilespmem:s24+$0x190];
	[tilespmem:s24+$0xA0] =	vst v6;
	v6 =	vmul.f32 $8.000000000e+00, v3  }
0x12b: {  	v3 =	vld [tilespmem:s24+$0x1A0];
	[tilespmem:s24+$0xB0] =	vst v5;
	v5 =	vmul.f32 $8.000000000e+00, v4  }
0x12c: {  	s25 =	simm.s32 $0x0;
	s26 =	simm.s32 $0xEA00;
	v4 =	vld [tilespmem:s24+$0xFFFFFE00];
	[tilespmem:s24+$0x100] =	vst v6;
	v6 =	vmul.f32 $8.000000000e+00, v7  }
.LBB2_10:
0x12d: {  	v7 =	vld [tilespmem:s26+$0x1B0];
	s25 =	sadd.s32 $0x8, s25;
	[tilespmem:s24+$0x110] =	vst v5;
	v0 =	vmul.f32 $8.000000000e+00, v0  }
0x12e: {  	v5 =	vld [tilespmem:s26+$0xFFFFFE10];
	p0 =	slt.u32 s25, $0xF8;
	[tilespmem:s24+$0x120] =	vst v6;
	v1 =	vmul.f32 $8.000000000e+00, v1  }
0x12f: {  	v6 =	vld [tilespmem:s26+$0xFFFFFE20];
	[tilespmem:s24+$0x130] =	vst v0;
	v0 =	vmul.f32 $8.000000000e+00, v2  }
0x130: {  	v2 =	vld [tilespmem:s26+$0xFFFFFE30];
	[tilespmem:s24+$0x180] =	vst v1;
	v1 =	vmul.f32 $8.000000000e+00, v3  }
0x131: {  	v3 =	vld [tilespmem:s26+$0xFFFFFE80];
	v4 =	vmul.f32 $8.000000000e+00, v4;
	[tilespmem:s24+$0x190] =	vst v0  }
0x132: {  	v0 =	vld [tilespmem:s26+$0xFFFFFE90];
	v7 =	vmul.f32 $8.000000000e+00, v7;
	[tilespmem:s24+$0x1A0] =	vst v1  }
0x133: {  	v1 =	vmul.f32 $8.000000000e+00, v5;
	v5 =	vld [tilespmem:s26+$0xFFFFFEA0];
	[tilespmem:s24+$0xFFFFFE00] =	vst v4;
	s24 =	smov.u32 s26  }
0x134: {  	v4 =	vmul.f32 $8.000000000e+00, v6;
	v6 =	vld [tilespmem:s26+$0xFFFFFEB0];
	[tilespmem:s26+$0x1B0] =	vst v7  }
0x135: {  	[tilespmem:s26+$0xFFFFFE10] =	vst v1;
	v1 =	vmul.f32 $8.000000000e+00, v2;
	v2 =	vld [tilespmem:s26+$0xFFFFFF00]  }
0x136: {  	[tilespmem:s26+$0xFFFFFE20] =	vst v4;
	v3 =	vmul.f32 $8.000000000e+00, v3;
	v4 =	vld [tilespmem:s26+$0xFFFFFF10]  }
0x137: {  	[tilespmem:s26+$0xFFFFFE30] =	vst v1;
	v0 =	vmul.f32 $8.000000000e+00, v0;
	v1 =	vld [tilespmem:s26+$0xFFFFFF20]  }
0x138: {  	[tilespmem:s26+$0xFFFFFE80] =	vst v3;
	v3 =	vmul.f32 $8.000000000e+00, v5;
	v5 =	vld [tilespmem:s26+$0xFFFFFF30]  }
0x139: {  	[tilespmem:s26+$0xFFFFFE90] =	vst v0;
	v0 =	vmul.f32 $8.000000000e+00, v6;
	v6 =	vld [tilespmem:s26+$0xFFFFFF80]  }
0x13a: {  	[tilespmem:s26+$0xFFFFFEA0] =	vst v3;
	v2 =	vmul.f32 $8.000000000e+00, v2;
	v3 =	vld [tilespmem:s26+$0xFFFFFF90]  }
0x13b: {  	[tilespmem:s26+$0xFFFFFEB0] =	vst v0;
	v0 =	vmul.f32 $8.000000000e+00, v4;
	v4 =	vld [tilespmem:s26+$0xFFFFFFA0]  }
0x13c: {  	[tilespmem:s26+$0xFFFFFF00] =	vst v2;
	v1 =	vmul.f32 $8.000000000e+00, v1;
	v2 =	vld [tilespmem:s26+$0xFFFFFFB0]  }
0x13d: {  	[tilespmem:s26+$0xFFFFFF10] =	vst v0;
	v0 =	vmul.f32 $8.000000000e+00, v5;
	v5 =	vld [tilespmem:s26+$0x0]  }
0x13e: {  	[tilespmem:s26+$0xFFFFFF20] =	vst v1;
	v1 =	vmul.f32 $8.000000000e+00, v6;
	v6 =	vld [tilespmem:s26+$0x10]  }
0x13f: {  	[tilespmem:s26+$0xFFFFFF30] =	vst v0;
	v0 =	vmul.f32 $8.000000000e+00, v3;
	v3 =	vld [tilespmem:s26+$0x20]  }
0x140: {  	[tilespmem:s26+$0xFFFFFF80] =	vst v1;
	v1 =	vmul.f32 $8.000000000e+00, v4;
	v4 =	vld [tilespmem:s26+$0x30]  }
0x141: {  	[tilespmem:s26+$0xFFFFFF90] =	vst v0;
	v0 =	vmul.f32 $8.000000000e+00, v2;
	v2 =	vld [tilespmem:s26+$0x80]  }
0x142: {  	[tilespmem:s26+$0xFFFFFFA0] =	vst v1;
	v1 =	vmul.f32 $8.000000000e+00, v5;
	v5 =	vld [tilespmem:s26+$0x90]  }
0x143: {  	[tilespmem:s26+$0xFFFFFFB0] =	vst v0;
	v0 =	vmul.f32 $8.000000000e+00, v6;
	v6 =	vld [tilespmem:s26+$0xA0]  }
0x144: {  	[tilespmem:s26+$0x0] =	vst v1;
	v1 =	vmul.f32 $8.000000000e+00, v3;
	v3 =	vld [tilespmem:s26+$0xB0]  }
0x145: {  	[tilespmem:s26+$0x10] =	vst v0;
	v0 =	vmul.f32 $8.000000000e+00, v4;
	v4 =	vld [tilespmem:s26+$0x100]  }
0x146: {  	[tilespmem:s26+$0x20] =	vst v1;
	v1 =	vmul.f32 $8.000000000e+00, v2;
	v7 =	vld [tilespmem:s26+$0x110]  }
0x147: {  	[tilespmem:s26+$0x30] =	vst v0;
	v2 =	vmul.f32 $8.000000000e+00, v5;
	v8 =	vld [tilespmem:s26+$0x120]  }
.Ltmp4:
0x148: {  	[tilespmem:s26+$0x80] =	vst v1;
	v5 =	vmul.f32 $8.000000000e+00, v6;
	v0 =	vld [tilespmem:s26+$0x130];
	(pc) =	sbr.rel @p0 .LBB2_10-.Ltmp4, $4  }
0x149: {  	[tilespmem:s26+$0x90] =	vst v2;
	v3 =	vmul.f32 $8.000000000e+00, v3;
	v1 =	vld [tilespmem:s26+$0x180]  }
0x14a: {  	[tilespmem:s26+$0xA0] =	vst v5;
	v6 =	vmul.f32 $8.000000000e+00, v4;
	v2 =	vld [tilespmem:s26+$0x190]  }
0x14b: {  	[tilespmem:s26+$0xB0] =	vst v3;
	v5 =	vmul.f32 $8.000000000e+00, v7;
	v3 =	vld [tilespmem:s26+$0x1A0]  }
0x14c: {  	s26 =	sadd.s32 $0x400, s26;
	v4 =	vld [tilespmem:s24+$0xFFFFFE00];
	[tilespmem:s24+$0x100] =	vst v6;
	v6 =	vmul.f32 $8.000000000e+00, v8  }
0x14d: {  	[tilespmem:s24+$0x110] =	vst v5;
	v0 =	vmul.f32 $8.000000000e+00, v0  }
0x14e: {  	[tilespmem:s24+$0x120] =	vst v6;
	v1 =	vmul.f32 $8.000000000e+00, v1  }
0x14f: {  	[tilespmem:s24+$0x130] =	vst v0;
	v61 =	vmul.f32 $8.000000000e+00, v2  }
0x150: {  	[tilespmem:s24+$0x180] =	vst v1;
	v62 =	vmul.f32 $8.000000000e+00, v3  }
0x151: {  	v63 =	vmul.f32 $8.000000000e+00, v4;
	[tilespmem:s24+$0x190] =	vst v61  }
0x152: {  	[tilespmem:s24+$0x1A0] =	vst v62  }
0x153: {  	s23 =	sadd.s32 $0x1, s23;
	[tilespmem:s24+$0xFFFFFE00] =	vst v63  }
0x154: {  	[hbm4b:s9+s2] =	stream.linear.scatter [tilespmem:s16], [sflag:$0x4], $0x8000, $0x38;
	[tilespmem:$0x16400] =	vst v63  }
0x155: {  	p0 =	sne.s32 s23, s10;
	_ =	swait.ge [sflag:s20], $0x8000  }
.Ltmp5:
0x156: {  	[sflag:s20] =	ssyncset.done $0x0;
	(pc) =	sbr.rel @p0 .LBB2_1-.Ltmp5, $4  }
0x157: {  	[sflag:s20] =	ssyncadd.s32 $0xFFFF8000  }
0x158: {  	_ =	swait.ge [sflag:s22], $0x8000  }
0x159: {  	[sflag:s22] =	ssyncset.done $0x0  }
0x15a: {  	[sflag:s22] =	ssyncadd.s32 $0xFFFF8000  }
0x15b: {  	_ =	sfence.sel $0x180000  }
0x15c: {  	[bflag:$0x0] =	sbarrier.arrive $0xFFFF  }
0x15d: {  	p0 =	sne.s32 s0, $0x0;
	_ =	strace $0x90000047  }
0x15e: {  	s0 =	sadd.s32 @!p0 $0x100000, s1;
	[bflag:$0x2] =	sbarrier.arrive $0xFFFF  }
0x15f: {  	[sflag:s0] =	ssyncadd.tile.s32 @!p0 $0x1;
	_ =	shalt  }
.Lfunc_end2:
_tile_overlayer_lowered:
.L_overlay_start_2:
0x160: {  	(tag) =	ssettag $0x2  }
0x161: {  	s0 =	rddreg [dreg:$0x0];
	s2 =	stileid.u32  }
0x162: {  	s1 =	rddreg [dreg:$0x1];
	p0 =	sne.s32 s2, $0x0  }
0x163: {  	s3 =	rddreg [dreg:$0x2];
	[bflag:$0x3] =	sbarrier.arrive $0xFFFF;
	s2 =	simm.s32 @!p0 $0x1C05  }
0x164: {  	[timem:s3], [sflag:s2] =	dma.local @!p0 [hbm:s0], s1  }
0x165: {  	s0 =	simm.s32 @!p0 $0x5  }
0x166: {  	_ =	swait.ge @!p0 [sflag:s0], s1  }
0x167: {  	s1 =	ssub.s32 @!p0 $0x0, s1;
	[sflag:s0] =	ssyncset.done @!p0 $0x0  }
0x168: {  	[sflag:s0] =	ssyncadd.s32 @!p0 s1  }
0x169: {  	[bflag:$0x3] =	sbarrier.arrive $0xFFFF  }
0x16a: {  	_ =	shalt  }

// kernel: sparse-core-data-format-call.cloned.1.call-start
scs
called_computation_lowered:
.L_overlay_start_0:
0x0: {  	s2 =	sld [smem:$0x3FD9]  }
0x1: {  	s3 =	sld [smem:$0x3FFE];
	_ =	sdelay $0x1  }
0x2: {  	s1 =	srdreg.scid  }
0x3: {  	s0 =	sand.u32 $0x1, s1  }
0x4: {  	s18 =	sshll.u32 s0, $0xA;
	s2 =	sadd.s32 s3, s2  }
0x5: {  	s2 =	sadd.s32 s2, s18  }
0x6: {  	[smem:$0x3FC6] =	sst s2  }
0x7: {  	_ = 	snop  }
0x8: {  	s2 =	sld [smem:$0x3FD0];
	(tm) =	ssettm $0x1  }
0x9: {  	s19 =	sld [smem:$0x3FFB];
	_ =	sdelay $0x3  }
0xa: {  	_ =	strace s19  }
0xb: {  	s3 =	sld [smem:$0x3FFC];
	_ =	sdelay $0x3  }
0xc: {  	_ =	strace s3  }
0xd: {  	s3 =	sld [smem:$0x3FFD];
	_ =	sdelay $0x3  }
0xe: {  	_ =	strace s3  }
0xf: {  	_ =	strace $0x8FFFFFFF  }
0x10: {  	s20 =	sld [smem:$0x3FDB];
	_ =	sdelay $0x1  }
0x11: {  	s4 =	simm.s32 $_scs_section_size  }
0x12: {  	s5 =	simm.s32 $_size__tile_overlayer_lowered;
	s6 =	simm.s32 $_tile_overlayer_lowered  }
0x13: {  	s23 =	simm.s32 $0x1BFF;
	s22 =	sshll.u32 s6, $0x1;
	s3 =	sadd.s32 s4, s20  }
0x14: {  	s7 =	simm.s32 $0x0;
	s21 =	sshll.u32 s5, $0x1;
	s5 =	sadd.s32 s22, s3  }
0x15: {  	[timem:s7], [sflag:s23] =	dma.local [hbm:s5], s21  }
0x16: {  	_ =	swait.ge [sflag:s23], s21  }
0x17: {  	s4 =	ssub.s32 $0x0, s21;
	[sflag:s23] =	ssyncset.done $0x0  }
0x18: {  	[sflag:s23] =	ssyncadd.s32 s4;
	_ =	sdelay $0x1  }
0x19: {  	s24 =	simm.s32 $0x1B8B  }
0x1a: {  	_ =	swait.ge [sflag:s24], $0x1  }
0x1b: {  	[sflag:s24] =	ssyncset.done $0x0  }
0x1c: {  	s26 =	simm.s32 $0x1B8E;
	s25 =	sld [smem:$0x3FFE];
	[sflag:s24] =	ssyncadd.s32 $0xFFFFFFFF  }
0x1d: {  	s27 =	simm.s32 $execute0_lowered;
	[smem:$0x3FD2] =	sst s26  }
0x1e: {  	s5 =	sshll.u32 s27, $0x1;
	_ =	strace $0x80000049;
	[dreg:$0x1] =	wrdreg $0xFFFFFFFF  }
0x1f: {  	s28 =	simm.s32 $_size_execute0_lowered;
	s3 =	sadd.s32 s3, s5;
	[dreg:$0x0] =	wrdreg $0x0  }
0x20: {  	s5 =	sshll.u32 s28, $0x1;
	[dreg:$0x2] =	wrdreg s3  }
0x21: {  	[dreg:$0x3] =	wrdreg s5  }
0x22: {  	[dreg:$0x4] =	wrdreg $0xC0  }
0x23: {  	_ =	task [dreg:s7], $0x5FFFF  }
0x24: {  	[dreg:$0x1] =	wrdreg $0xFFFFFFFF  }
0x25: {  	[dreg:$0x0] =	wrdreg $0x60  }
0x26: {  	[dreg:$0x2] =	wrdreg s25  }
0x27: {  	[dreg:$0x3] =	wrdreg s2  }
0x28: {  	[dreg:$0x4] =	wrdreg $0x9  }
0x29: {  	_ =	task.clear_ibuf [dreg:s7], $0x5FFFF;
	_ =	strace $0x90000049  }
0x2a: {  	s29 =	simm.s32 $0x9;
	_ =	strace $0x8000004B  }
0x2b: {  	_ =	swait.ge [sflag:s29], $0x1  }
0x2c: {  	[sflag:s29] =	ssyncadd.s32 $0xFFFFFFFF  }
0x2d: {  	_ =	strace $0x9000004B  }
0x2e: {  	_ =	sfence  }
0x2f: {  	s30 =	sld [smem:$0x0];
	_ =	sdelay $0x2  }
0x30: {  	s31 =	sshll.u32 s1, $0xD;
	s1 =	sshrl.u32 s1, $0x2  }
0x31: {  	s3 =	sand.u32 $0x4000, s31;
	s1 =	sadd.s32 s1, s30  }
0x32: {  	s0 =	sor.u32 s3, s0;
	s1 =	sshll.u32 s1, $0x11  }
0x33: {  	s0 =	sor.u32 s1, s0  }
0x34: {  	s0 =	sadd.s32 $0x8F2B, s0  }
0x35: {  	[sflag:s0] =	ssyncadd.remote.s32 $0x1  }
0x36: {  	_ =	sfence.sel $0xFFFF  }
0x37: {  	[dreg:$0x0] =	wrdreg $0xFFFFFFFF;
	(pc) =	sbr.abs _section_cstart, $3  }
0x38: {  	[dreg:$0x1] =	wrdreg $0xFFFFFFFF  }
0x39: {  	_ =	task.clear_ibuf [dreg:s7], $0x2FFFF;
	_ =	strace $0x9FFFFFFF  }
0x3a: {  	(tm) =	ssettm $0x7FFFFFFF  }
0x3b: {  	_ =	shalt  }
tec
execute0_lowered:
.L_overlay_start_1:
0x0: {  	(tag) =	ssettag $0x1  }
0x1: {  	s0 =	srdreg.scid  }
0x2: {  	s1 =	sshll.u32 s0, $0x4  }
0x3: {  	s0 =	stileid.u32;
	s1 =	sand.u32 $0x10, s1  }
0x4: {  	s1 =	sor.u32 s0, s1  }
0x5: {  	s6 =	rddreg [dreg:$0x0];
	s4 =	simm.s32 $0x1;
	s2 =	sshll.u32 s1, $0x7  }
0x6: {  	s7 =	simm.s32 $0x2;
	s12 =	simm.s32 $0x0;
	s1 =	ssub.s32 $0x1000, s2  }
0x7: {  	s8 =	simm.s32 $0x8000;
	s13 =	simm.s32 $0x0;
	s3 =	sand.u32 $0xF80, s1  }
0x8: {  	s9 =	simm.s32 $0x0;
	s5 =	sshrl.u32 s1, $0xC;
	p0 =	sne.s32 s3, $0x0  }
.Ltmp0:
0x9: {  	s1 =	rddreg [dreg:$0x2];
	s4 =	simm.s32 @!p0 $0x0;
	(pc) =	sbr.rel .LBB1_1-.Ltmp0, $4  }
0xa: {  	s11 =	simm.s32 $0x0;
	s3 =	rddreg [dreg:$0x1];
	s5 =	sadd.s32 s4, s5  }
0xb: {  	_ =	strace $0x8000004A;
	s4 =	simm.s32 $0x1;
	s5 =	smul.u32 $0xC8, s5  }
0xc: {  	s6 =	sadd.s32 $0xA00, s6;
	s10 =	smov.u32 s2;
	[sflag:s4] =	ssyncpa.u1 $0x0  }
0xd: {  	p0 =	por $0x0, $0x0;
	[sflag:s7] =	ssyncpa.u1 $0x0;
	s7 =	sor.u32 $0x1, s5  }
.LBB1_4:
0xe: {  	s16 =	sshll.u32 s13, $0x3;
	s17 =	sand.u32 $0x78, s13  }
0xf: {  	s30 =	sand.u32 $0x7E00, s13;
	s12 =	sshll.u32 s12, $0xF;
	s16 =	sand.u32 $0xC00, s16  }
0x10: {  	[tilespmem:s15+$0x810 ss:$0x81] =	vst.msk $0xffff, v2;
	s31 =	sand.u32 $0x7, s13;
	s16 =	sor.u32 s17, s16;
	s17 =	sadd.s32 s3, s30  }
0x11: {  	[tilespmem:s15+$0x1020 ss:$0x81] =	vst.msk $0xffff, v0;
	s13 =	sshll.u32 s31, $0x12;
	s12 =	sadd.s32 s12, s17;
	s16 =	sshrl.u32 s16, $0x3  }
0x12: {  	[tilespmem:s15+$0x0 ss:$0x81] =	vst.msk $0xffff, v1;
	s13 =	sor.u32 $0x400, s13;
	s12 =	sadd.s32 s16, s12  }
0x13: {  	[hbm4b:s12+s13] =	stream.strided.scatter [tilespmem:s14], [sflag:$0x2], $0x2000, s8, s13, $0x20;
	[tilespmem:$0x8080] =	vst v63  }
.LBB1_5:
0x14: {  	s14 =	sadd.s32 $0x1, s9  }
0x15: {  	s12 =	sadd.s32 $0x1000, s10;
	s16 =	smov.u32 s10;
	p2 =	sgt.s32 s14, $0xC7  }
0x16: {  	s16 =	smov.u32 @p2 s12  }
0x17: {  	s14 =	simm.s32 @p2 $0x0;
	p2 =	sgt.s32 s16, $0xFFF  }
0x18: {  	s16 =	smov.u32 @p2 s2;
	p2 =	sne.s32 s11, s7  }
.Ltmp1:
0x19: {  	p1 =	slt.u32 s11, $0x2;
	(pc) =	sbr.rel @!p2 .LBB1_6-.Ltmp1, $4  }
0x1a: {  	s15 =	simm.s32 @!p1 $0x2  }
0x1b: {  	s13 =	smov.u32 s10;
	p0 =	por !p0, !p0;
	_ =	swait.ge @!p1 [sflag:s15], $0x2000  }
0x1c: {  	s12 =	smov.u32 s9;
	[sflag:s15] =	ssyncset.done @!p1 $0x0;
	s9 =	smov.u32 s14  }
0x1d: {  	s11 =	sadd.s32 $0x1, s11;
	[sflag:s15] =	ssyncadd.s32 @!p1 $0xFFFFE000;
	s10 =	smov.u32 s16  }
.LBB1_1:
0x1e: {  	p1 =	sge.u32 s11, s5  }
0x1f: {  	s14 =	sand.u32 @!p1 $0x1FFFFFF, s9  }
0x20: {  	s15 =	smulhi.u32 @!p1 $0x147AE15, s14;
	_ =	sdelay $0x1  }
0x21: {  	s15 =	smul.u32 @!p1 $0xC8, s15  }
0x22: {  	s16 =	sxor.u32 @!p1 $0xFFFFFFFF, s11;
	s17 =	smul.u32 @!p1 $0xC80, s10  }
0x23: {  	s31 =	sadd.s32 $0xFFFFFFFF, s11;
	s16 =	sshll.u32 @!p1 s16, $0xD;
	s14 =	ssub.s32 @!p1 s14, s15  }
0x24: {  	s15 =	sand.u32 @!p1 $0x2000, s16;
	s16 =	sadd.s32 @!p1 s6, s17;
	s14 =	sshll.u32 @!p1 s14, $0x4  }
0x25: {  	s17 =	simm.s32 @!p1 $0x6400;
	s14 =	sadd.s32 @!p1 s14, s16;
	s16 =	simm.s32 @!p1 $0x40  }
0x26: {  	[tilespmem:s15], [sflag:$0x1] =	stream.strided.gather @!p1 [hbm4b:s14+s16], $0x2000, s17, s16, $0x38;
	[tilespmem:$0x8080] =	vst v63  }
0x27: {  	p1 =	sge.u32 s31, s5  }
.Ltmp2:
0x28: {  	_ = 	snop;
	(pc) =	sbr.rel @p1 .LBB1_5-.Ltmp2, $1  }
0x29: {  	_ =	sdelay $0x3  }
0x2a: {  	s14 =	simm.s32 $0x1  }
0x2b: {  	_ =	swait.ge [sflag:s4], $0x2000;
	s14 =	simm.s32 @!p0 $0x0  }
0x2c: {  	[sflag:s4] =	ssyncset.done $0x0;
	s15 =	sshll.u32 s14, $0xD  }
0x2d: {  	[sflag:s4] =	ssyncadd.s32 $0xFFFFE000;
	s18 =	sor.u32 $0x20, s15  }
0x2e: {  	s14 =	smul.u32 $0x8100, s14;
	v3 =	vld [tilespmem:s18+$0x10]  }
0x2f: {  	s30 =	sand.u32 $0x1, s11;
	v2 =	vld [tilespmem:s18+$0xFFFFFFF0]  }
0x30: {  	s15 =	smul.u32 $0x8100, s30;
	s14 =	sshrl.u32 s14, $0x2;
	v0 =	vld [tilespmem:s18+$0x0]  }
0x31: {  	v1 =	vld [tilespmem:s18+$0xFFFFFFE0];
	s16 =	sor.u32 $0x4000, s14  }
0x32: {  	s31 =	sshrl.u32 s15, $0x2;
	s15 =	sadd.s32 $0x0, s16  }
0x33: {  	s17 =	simm.s32 $0x4;
	s18 =	sadd.s32 $0x40, s18;
	s14 =	sor.u32 $0x4000, s31;
	[tilespmem:s15+$0x1830 ss:$0x81] =	vst.msk $0xffff, v3  }
.LBB1_3:
0x34: {  	v3 =	vld [tilespmem:s18+$0x10];
	p1 =	sne.s32 s17, $0x1FC;
	[tilespmem:s15+$0x810 ss:$0x81] =	vst.msk $0xffff, v2;
	s19 =	smov.u32 s17;
	s17 =	sadd.s32 $0x4, s17  }
.Ltmp3:
0x35: {  	v2 =	vld [tilespmem:s18+$0xFFFFFFF0];
	[tilespmem:s15+$0x1020 ss:$0x81] =	vst.msk $0xffff, v0;
	(pc) =	sbr.rel @p1 .LBB1_3-.Ltmp3, $4  }
0x36: {  	v0 =	vld [tilespmem:s18+$0x0];
	[tilespmem:s15+$0x0 ss:$0x81] =	vst.msk $0xffff, v1  }
0x37: {  	s15 =	sshra.s32 s19, $0x2;
	v1 =	vld [tilespmem:s18+$0xFFFFFFE0]  }
0x38: {  	s15 =	sadd.s32 s15, s16  }
0x39: {  	s18 =	sadd.s32 $0x40, s18;
	[tilespmem:s15+$0x1830 ss:$0x81] =	vst.msk $0xffff, v3  }
.Ltmp4:
0x3a: {  	_ = 	snop;
	(pc) =	sbr.rel .LBB1_4-.Ltmp4, $1  }
0x3b: {  	_ =	sdelay $0x3  }
.LBB1_6:
0x3c: {  	_ =	sfence.sel $0x180000  }
0x3d: {  	s2 =	simm.s32 $0x1;
	[bflag:$0x0] =	sbarrier.arrive $0xFFFF  }
0x3e: {  	s31 =	simm.s32 $0x2;
	[sflag:s2] =	ssyncpa.u1 $0x1  }
0x3f: {  	[sflag:s31] =	ssyncpa.u1 $0x1  }
0x40: {  	p0 =	sne.s32 s0, $0x0;
	_ =	strace $0x9000004A  }
0x41: {  	s0 =	sadd.s32 @!p0 $0x100000, s1;
	[bflag:$0x2] =	sbarrier.arrive $0xFFFF  }
0x42: {  	[sflag:s0] =	ssyncadd.tile.s32 @!p0 $0x1;
	_ =	shalt  }
.Lfunc_end1:
_tile_overlayer_lowered:
.L_overlay_start_2:
0x43: {  	(tag) =	ssettag $0x2  }
0x44: {  	s0 =	rddreg [dreg:$0x0];
	s2 =	stileid.u32  }
0x45: {  	s1 =	rddreg [dreg:$0x1];
	p0 =	sne.s32 s2, $0x0  }
0x46: {  	s3 =	rddreg [dreg:$0x2];
	[bflag:$0x3] =	sbarrier.arrive $0xFFFF;
	s2 =	simm.s32 @!p0 $0x1C01  }
0x47: {  	[timem:s3], [sflag:s2] =	dma.local @!p0 [hbm:s0], s1  }
0x48: {  	s0 =	simm.s32 @!p0 $0x1  }
0x49: {  	_ =	swait.ge @!p0 [sflag:s0], s1  }
0x4a: {  	s1 =	ssub.s32 @!p0 $0x0, s1;
	[sflag:s0] =	ssyncset.done @!p0 $0x0  }
0x4b: {  	[sflag:s0] =	ssyncadd.s32 @!p0 s1  }
0x4c: {  	[bflag:$0x3] =	sbarrier.arrive $0xFFFF  }
0x4d: {  	_ =	shalt  }

</sc_bundles>
